<compile_context>
chip_gen: v7x
topology: tpu7x:2x2x1
jax: 0.10.2.dev20260603
libtpu: 0.0.44.dev20260713+nightly
codegen_flags: <defaults>
</compile_context>

<pallas_src>
import functools

import jax
import jax.numpy as jnp
from jax import lax
from jax.experimental import pallas as pl
from jax.experimental.pallas import tpu as pltpu
from jax.experimental.pallas import tpu_sc as plsc

N = 10000
E = 320000
HID = 64
HE = 128
NC = 2
NS = 16
NW = NC * NS
B = 128
CHUNKS = -(-E // (B * NW))
E_PAD = CHUNKS * B * NW
TRASH = N
ACC_ROWS = 10240
ZCH = ACC_ROWS // (NS * B)
OUT_PS = ACC_ROWS // NS


@functools.cache
def _mesh():
    return plsc.VectorSubcoreMesh(
        core_axis_name="c", subcore_axis_name="s", num_cores=NC, num_subcores=NS)



def _deg_body(col_hbm, ones_hbm, zeros_hbm, out_hbm, col_v, ones_v, acc):
    c = lax.axis_index("c")
    s = lax.axis_index("s")
    w = s * NC + c
    pltpu.sync_copy(zeros_hbm, ones_v)
    for k in range(ZCH):
        pltpu.sync_copy(ones_v, acc.at[pl.ds((s * ZCH + k) * B, B)])
    pltpu.sync_copy(ones_hbm, ones_v)
    plsc.subcore_barrier()

    def body(j, carry):
        base = (w * CHUNKS + j) * B
        pltpu.sync_copy(col_hbm.at[pl.ds(base, B)], col_v)
        pltpu.sync_copy(ones_v, acc.at[col_v], add=True)
        return carry

    lax.fori_loop(0, CHUNKS, body, 0)
    plsc.subcore_barrier()
    pltpu.sync_copy(acc.at[pl.ds(s * OUT_PS, OUT_PS)],
                    out_hbm.at[c, pl.ds(s * OUT_PS, OUT_PS)])


@functools.cache
def _deg_call():
    return pl.kernel(
        _deg_body,
        out_type=jax.ShapeDtypeStruct((NC, ACC_ROWS, HE), jnp.float32),
        mesh=_mesh(),
        scratch_types=[
            pltpu.VMEM((B,), jnp.int32),
            pltpu.VMEM((B, HE), jnp.float32),
            pltpu.VMEM_SHARED((ACC_ROWS, HE), jnp.float32),
        ],
    )


def _edge_body(row_hbm, col_hbm, g_hbm, zeros_hbm, out_hbm,
               row_v, col_v, buf, acc, sem):
    c = lax.axis_index("c")
    s = lax.axis_index("s")
    pltpu.sync_copy(zeros_hbm, buf)
    for k in range(ZCH):
        pltpu.sync_copy(buf, acc.at[pl.ds((s * ZCH + k) * B, B)])
    plsc.subcore_barrier()

    base = (s * NC + c) * CHUNKS
    nch = CHUNKS

    def body(j, carry):
        o = (base + j) * B
        pltpu.sync_copy(row_hbm.at[pl.ds(o, B)], row_v)
        pltpu.sync_copy(col_hbm.at[pl.ds(o, B)], col_v)
        pltpu.async_copy(g_hbm.at[row_v], buf, sem).wait()
        pltpu.sync_copy(buf, acc.at[col_v], add=True)
        return carry

    lax.fori_loop(0, nch, body, 0)
    plsc.subcore_barrier()
    pltpu.sync_copy(acc.at[pl.ds(s * OUT_PS, OUT_PS)],
                    out_hbm.at[c, pl.ds(s * OUT_PS, OUT_PS)])


@functools.cache
def _edge_call():
    return pl.kernel(
        _edge_body,
        out_type=jax.ShapeDtypeStruct((NC, ACC_ROWS, HE), jnp.float32),
        mesh=_mesh(),
        scratch_types=[
            pltpu.VMEM((B,), jnp.int32),
            pltpu.VMEM((B,), jnp.int32),
            pltpu.VMEM((B, HE), jnp.float32),
            pltpu.VMEM_SHARED((ACC_ROWS, HE), jnp.float32),
            pltpu.SemaphoreType.DMA,
        ],
    )



R = 1000
G = N // R


def _dinv(degT_ref):
    deg = jnp.sum(degT_ref[...], axis=1, keepdims=True) + 1.0
    return lax.rsqrt(deg)


def _pad_he(x):
    return jnp.concatenate([x, jnp.zeros((x.shape[0], HE - HID), x.dtype)], axis=1)


def _first_body(x_ref, w_ref, degT_ref, o_ref):
    dinv = _dinv(degT_ref)
    h = jnp.dot(x_ref[...], w_ref[...], preferred_element_type=jnp.float32)
    o_ref[...] = _pad_he(dinv * h)


def _mid_body(sp_ref, g_ref, degT_ref, b_ref, w_ref, o_ref):
    dinv = _dinv(degT_ref)
    ssum = (sp_ref[0] + sp_ref[1] + g_ref[...])[:, :HID]
    x = jax.nn.relu(dinv * ssum + b_ref[...])
    o_ref[...] = _pad_he(
        dinv * jnp.dot(x, w_ref[...], preferred_element_type=jnp.float32))


def _preagg_body(sp_ref, g_ref, degT_ref, b_ref, o_ref):
    dinv = _dinv(degT_ref)
    ssum = (sp_ref[0] + sp_ref[1] + g_ref[...])[:, :HID]
    o_ref[...] = _pad_he(dinv * jax.nn.relu(dinv * ssum + b_ref[...]))


def _last_body(sp_ref, g_ref, degT_ref, w_ref, b_ref, o_ref):
    dinv = _dinv(degT_ref)
    agg = dinv * (sp_ref[0] + sp_ref[1] + g_ref[...])[:, :HID]
    h = jnp.dot(agg, w_ref[...], preferred_element_type=jnp.float32) + b_ref[...]
    m = jnp.max(h, axis=1, keepdims=True)
    lse = m + jnp.log(jnp.sum(jnp.exp(h - m), axis=1, keepdims=True))
    o_ref[...] = h - lse


def _rows(d):
    return pl.BlockSpec((R, d), lambda i: (i, 0))


def _whole(*shape):
    return pl.BlockSpec(shape, lambda i: (0,) * len(shape))


def _sp_spec():
    return pl.BlockSpec((NC, R, HE), lambda i: (0, i, 0))


def _tc_call(body, in_specs, out_dim):
    return pl.pallas_call(
        body,
        grid=(G,),
        in_specs=in_specs,
        out_specs=_rows(out_dim),
        out_shape=jax.ShapeDtypeStruct((N, out_dim), jnp.float32),
    )



def kernel(edges, features, W0, b0, W1, b1, W2, b2):
    row = edges[0]
    col = edges[1]
    pad = E_PAD - E
    row_p = jnp.concatenate([row, jnp.zeros((pad,), row.dtype)])
    col_p = jnp.concatenate([col, jnp.full((pad,), TRASH, col.dtype)])
    zeros_h = jnp.zeros((B, HE), jnp.float32)
    ones_h = jnp.ones((B, HE), jnp.float32)

    degp = _deg_call()(col_p, ones_h, zeros_h)
    degT = degp[:, :N, 0].T

    b0r = b0.reshape(1, HID)
    b1r = b1.reshape(1, HID)
    b2r = b2.reshape(1, W2.shape[1])

    g0 = _tc_call(
        _first_body,
        [_rows(features.shape[1]), _whole(features.shape[1], HID), _rows(2)],
        HE,
    )(features, W0, degT)

    s0 = _edge_call()(row_p, col_p, g0, zeros_h)

    g1 = _tc_call(
        _mid_body,
        [_sp_spec(), _rows(HE), _rows(2), _whole(1, HID), _whole(HID, HID)],
        HE,
    )(s0, g0, degT, b0r, W1)

    s1 = _edge_call()(row_p, col_p, g1, zeros_h)

    g2 = _tc_call(
        _preagg_body,
        [_sp_spec(), _rows(HE), _rows(2), _whole(1, HID)],
        HE,
    )(s1, g1, degT, b1r)

    s2 = _edge_call()(row_p, col_p, g2, zeros_h)

    d_out = W2.shape[1]
    out = _tc_call(
        _last_body,
        [_sp_spec(), _rows(HE), _rows(2), _whole(HID, d_out), _whole(1, d_out)],
        d_out,
    )(s2, g2, degT, W2, b2r)

    return out

# --- scband reference (transcript-rebuilt; emitter-appended) ---
"""Pipeline reference for scband-stacked-gcn-22625887715494 (READ-ONLY COPY).

The authoritative reference and input builder live on the scoring server;
editing this copy changes nothing except your own understanding.
"""

import jax, jax.numpy as jnp
import numpy as np

N = 10000
E = 320000
D_IN = 128
HID = 64
D_OUT = 128


def setup_inputs(seed: int = 0) -> dict:
    key = jax.random.key(seed)
    k1, k2, k3, k4, k5 = jax.random.split(key, 5)
    edges = jax.random.randint(k1, (2, E), 0, N)
    features = jax.random.normal(k2, (N, D_IN), dtype=jnp.float32)
    W0 = jax.random.normal(k3, (D_IN, HID), dtype=jnp.float32) * (1.0 / np.sqrt(D_IN))
    b0 = jnp.zeros((HID,), dtype=jnp.float32)
    W1 = jax.random.normal(k4, (HID, HID), dtype=jnp.float32) * (1.0 / np.sqrt(HID))
    b1 = jnp.zeros((HID,), dtype=jnp.float32)
    W2 = jax.random.normal(k5, (HID, D_OUT), dtype=jnp.float32) * (1.0 / np.sqrt(HID))
    b2 = jnp.zeros((D_OUT,), dtype=jnp.float32)
    return {"edges": edges, "features": features, "W0": W0, "b0": b0, "W1": W1, "b1": b1, "W2": W2, "b2": b2}


def gcn_conv(x, row, col, W, b):
    # PyG GCNConv: add self-loops, symmetric normalization D^-1/2 (A+I) D^-1/2 X W + b
    n = x.shape[0]
    h = x @ W
    loop = jnp.arange(n, dtype=row.dtype)
    row_sl = jnp.concatenate([row, loop])
    col_sl = jnp.concatenate([col, loop])
    deg = jax.ops.segment_sum(jnp.ones_like(col_sl, dtype=h.dtype), col_sl, num_segments=n)
    dinv = jnp.where(deg > 0, jax.lax.rsqrt(jnp.maximum(deg, 1e-12)), 0.0)
    norm = dinv[row_sl] * dinv[col_sl]
    msg = h[row_sl] * norm[:, None]
    out = jax.ops.segment_sum(msg, col_sl, num_segments=n)
    return out + b


def reference(edges, features, W0, b0, W1, b1, W2, b2):
    row, col = edges[0], edges[1]
    # layers = [128, 64, 64, 128] -> 3 GCNConv layers
    h = jax.nn.relu(gcn_conv(features, row, col, W0, b0))
    h = jax.nn.relu(gcn_conv(h, row, col, W1, b1))
    # dropout is a no-op in eval mode (and i>1 never triggers with 2 hidden iters)
    h = gcn_conv(h, row, col, W2, b2)
    return jax.nn.log_softmax(h, axis=1)

if __name__ == "__main__":
    import jax
    _d = setup_inputs()
    print(jax.jit(kernel)(*tuple(_d.values())))

</pallas_src>

<mosaic_0001>
#map = affine_map<(d0, d1) -> (0)>
#map1 = affine_map<(d0, d1) -> (0, 0)>
#map2 = affine_map<(d0, d1) -> (0, 0, 0)>
module attributes {stable_mosaic.version = 14 : i64} {
  func.func @_edge_body(%arg0: i32, %arg1: i32, %arg2: memref<323584xi32, #tpu.memory_space<hbm>>, %arg3: memref<323584xi32, #tpu.memory_space<hbm>>, %arg4: memref<10000x128xf32, #tpu.memory_space<hbm>>, %arg5: memref<128x128xf32, #tpu.memory_space<hbm>>, %arg6: memref<2x10240x128xf32, #tpu.memory_space<hbm>>, %arg7: memref<128xi32, #tpu.memory_space<vmem>>, %arg8: memref<128xi32, #tpu.memory_space<vmem>>, %arg9: memref<128x128xf32, #tpu.memory_space<vmem>>, %arg10: memref<10240x128xf32, #tpu.memory_space<vmem_shared>>, %arg11: memref<!tpu.dma_semaphore, #tpu.memory_space<semaphore_mem>>) attributes {dimension_semantics = [#tpu.dimension_semantics<core_parallel>, #tpu.dimension_semantics<subcore_parallel>], iteration_bounds = array<i64: 2, 16>, scalar_prefetch = 0 : i64, scratch_operands = 5 : i64, tpu.core_type = #tpu.core_type<sc_vector_subcore>, window_params = [{transform_indices = #map}, {transform_indices = #map}, {transform_indices = #map1}, {transform_indices = #map1}, {transform_indices = #map2}]} {
    "tpu.region"() ({
      %run_scoped3A = tpu.sem_alloc : memref<!tpu.dma_semaphore, #tpu.memory_space<semaphore_mem>>
      tpu.enqueue_dma source(%arg5 : memref<128x128xf32, #tpu.memory_space<hbm>>) target(%arg9 : memref<128x128xf32, #tpu.memory_space<vmem>>) target_semaphore(%run_scoped3A : memref<!tpu.dma_semaphore, #tpu.memory_space<semaphore_mem>>)
      tpu.wait_dma2 semaphore(%run_scoped3A : memref<!tpu.dma_semaphore, #tpu.memory_space<semaphore_mem>>) src(%arg5 : memref<128x128xf32, #tpu.memory_space<hbm>>) dst(%arg9 : memref<128x128xf32, #tpu.memory_space<vmem>>)
      tpu.yield
    }) : () -> ()
    %mul3A = arith.constant 5 : i32
    %mul3A_0 = arith.muli %arg1, %mul3A : i32
    %add3A = arith.constant 0 : i32
    %add3A_1 = arith.addi %mul3A_0, %add3A : i32
    %mul3A_2 = arith.constant 128 : i32
    %mul3A_3 = arith.muli %add3A_1, %mul3A_2 : i32
    "tpu.region"() ({
      %run_scoped3A = tpu.sem_alloc : memref<!tpu.dma_semaphore, #tpu.memory_space<semaphore_mem>>
      %dma_start3A = arith.constant 0 : i32
      %dma_start3A_43 = tpu.memref_slice %arg10[%mul3A_3, %dma_start3A] : memref<10240x128xf32, #tpu.memory_space<vmem_shared>> -> memref<128x128xf32, #tpu.memory_space<vmem_shared>>
      %dma_start3A_44 = arith.constant 0 : i32
      %dma_start3A_45 = tpu.memref_slice %arg10[%mul3A_3, %dma_start3A_44] : memref<10240x128xf32, #tpu.memory_space<vmem_shared>> -> memref<128x128xf32, #tpu.memory_space<vmem_shared>>
      tpu.enqueue_dma source(%arg9 : memref<128x128xf32, #tpu.memory_space<vmem>>) target(%dma_start3A_45 : memref<128x128xf32, #tpu.memory_space<vmem_shared>>) target_semaphore(%run_scoped3A : memref<!tpu.dma_semaphore, #tpu.memory_space<semaphore_mem>>)
      %dma_wait3A = arith.constant 0 : i32
      %dma_wait3A_46 = tpu.memref_slice %arg10[%mul3A_3, %dma_wait3A] : memref<10240x128xf32, #tpu.memory_space<vmem_shared>> -> memref<128x128xf32, #tpu.memory_space<vmem_shared>>
      %dma_wait3A_47 = arith.constant 0 : i32
      %dma_wait3A_48 = tpu.memref_slice %arg10[%mul3A_3, %dma_wait3A_47] : memref<10240x128xf32, #tpu.memory_space<vmem_shared>> -> memref<128x128xf32, #tpu.memory_space<vmem_shared>>
      tpu.wait_dma2 semaphore(%run_scoped3A : memref<!tpu.dma_semaphore, #tpu.memory_space<semaphore_mem>>) src(%arg9 : memref<128x128xf32, #tpu.memory_space<vmem>>) dst(%dma_wait3A_48 : memref<128x128xf32, #tpu.memory_space<vmem_shared>>)
      tpu.yield
    }) : () -> ()
    %mul3A_4 = arith.constant 5 : i32
    %mul3A_5 = arith.muli %arg1, %mul3A_4 : i32
    %add3A_6 = arith.constant 1 : i32
    %add3A_7 = arith.addi %mul3A_5, %add3A_6 : i32
    %mul3A_8 = arith.constant 128 : i32
    %mul3A_9 = arith.muli %add3A_7, %mul3A_8 : i32
    "tpu.region"() ({
      %run_scoped3A = tpu.sem_alloc : memref<!tpu.dma_semaphore, #tpu.memory_space<semaphore_mem>>
      %dma_start3A = arith.constant 0 : i32
      %dma_start3A_43 = tpu.memref_slice %arg10[%mul3A_9, %dma_start3A] : memref<10240x128xf32, #tpu.memory_space<vmem_shared>> -> memref<128x128xf32, #tpu.memory_space<vmem_shared>>
      %dma_start3A_44 = arith.constant 0 : i32
      %dma_start3A_45 = tpu.memref_slice %arg10[%mul3A_9, %dma_start3A_44] : memref<10240x128xf32, #tpu.memory_space<vmem_shared>> -> memref<128x128xf32, #tpu.memory_space<vmem_shared>>
      tpu.enqueue_dma source(%arg9 : memref<128x128xf32, #tpu.memory_space<vmem>>) target(%dma_start3A_45 : memref<128x128xf32, #tpu.memory_space<vmem_shared>>) target_semaphore(%run_scoped3A : memref<!tpu.dma_semaphore, #tpu.memory_space<semaphore_mem>>)
      %dma_wait3A = arith.constant 0 : i32
      %dma_wait3A_46 = tpu.memref_slice %arg10[%mul3A_9, %dma_wait3A] : memref<10240x128xf32, #tpu.memory_space<vmem_shared>> -> memref<128x128xf32, #tpu.memory_space<vmem_shared>>
      %dma_wait3A_47 = arith.constant 0 : i32
      %dma_wait3A_48 = tpu.memref_slice %arg10[%mul3A_9, %dma_wait3A_47] : memref<10240x128xf32, #tpu.memory_space<vmem_shared>> -> memref<128x128xf32, #tpu.memory_space<vmem_shared>>
      tpu.wait_dma2 semaphore(%run_scoped3A : memref<!tpu.dma_semaphore, #tpu.memory_space<semaphore_mem>>) src(%arg9 : memref<128x128xf32, #tpu.memory_space<vmem>>) dst(%dma_wait3A_48 : memref<128x128xf32, #tpu.memory_space<vmem_shared>>)
      tpu.yield
    }) : () -> ()
    %mul3A_10 = arith.constant 5 : i32
    %mul3A_11 = arith.muli %arg1, %mul3A_10 : i32
    %add3A_12 = arith.constant 2 : i32
    %add3A_13 = arith.addi %mul3A_11, %add3A_12 : i32
    %mul3A_14 = arith.constant 128 : i32
    %mul3A_15 = arith.muli %add3A_13, %mul3A_14 : i32
    "tpu.region"() ({
      %run_scoped3A = tpu.sem_alloc : memref<!tpu.dma_semaphore, #tpu.memory_space<semaphore_mem>>
      %dma_start3A = arith.constant 0 : i32
      %dma_start3A_43 = tpu.memref_slice %arg10[%mul3A_15, %dma_start3A] : memref<10240x128xf32, #tpu.memory_space<vmem_shared>> -> memref<128x128xf32, #tpu.memory_space<vmem_shared>>
      %dma_start3A_44 = arith.constant 0 : i32
      %dma_start3A_45 = tpu.memref_slice %arg10[%mul3A_15, %dma_start3A_44] : memref<10240x128xf32, #tpu.memory_space<vmem_shared>> -> memref<128x128xf32, #tpu.memory_space<vmem_shared>>
      tpu.enqueue_dma source(%arg9 : memref<128x128xf32, #tpu.memory_space<vmem>>) target(%dma_start3A_45 : memref<128x128xf32, #tpu.memory_space<vmem_shared>>) target_semaphore(%run_scoped3A : memref<!tpu.dma_semaphore, #tpu.memory_space<semaphore_mem>>)
      %dma_wait3A = arith.constant 0 : i32
      %dma_wait3A_46 = tpu.memref_slice %arg10[%mul3A_15, %dma_wait3A] : memref<10240x128xf32, #tpu.memory_space<vmem_shared>> -> memref<128x128xf32, #tpu.memory_space<vmem_shared>>
      %dma_wait3A_47 = arith.constant 0 : i32
      %dma_wait3A_48 = tpu.memref_slice %arg10[%mul3A_15, %dma_wait3A_47] : memref<10240x128xf32, #tpu.memory_space<vmem_shared>> -> memref<128x128xf32, #tpu.memory_space<vmem_shared>>
      tpu.wait_dma2 semaphore(%run_scoped3A : memref<!tpu.dma_semaphore, #tpu.memory_space<semaphore_mem>>) src(%arg9 : memref<128x128xf32, #tpu.memory_space<vmem>>) dst(%dma_wait3A_48 : memref<128x128xf32, #tpu.memory_space<vmem_shared>>)
      tpu.yield
    }) : () -> ()
    %mul3A_16 = arith.constant 5 : i32
    %mul3A_17 = arith.muli %arg1, %mul3A_16 : i32
    %add3A_18 = arith.constant 3 : i32
    %add3A_19 = arith.addi %mul3A_17, %add3A_18 : i32
    %mul3A_20 = arith.constant 128 : i32
    %mul3A_21 = arith.muli %add3A_19, %mul3A_20 : i32
    "tpu.region"() ({
      %run_scoped3A = tpu.sem_alloc : memref<!tpu.dma_semaphore, #tpu.memory_space<semaphore_mem>>
      %dma_start3A = arith.constant 0 : i32
      %dma_start3A_43 = tpu.memref_slice %arg10[%mul3A_21, %dma_start3A] : memref<10240x128xf32, #tpu.memory_space<vmem_shared>> -> memref<128x128xf32, #tpu.memory_space<vmem_shared>>
      %dma_start3A_44 = arith.constant 0 : i32
      %dma_start3A_45 = tpu.memref_slice %arg10[%mul3A_21, %dma_start3A_44] : memref<10240x128xf32, #tpu.memory_space<vmem_shared>> -> memref<128x128xf32, #tpu.memory_space<vmem_shared>>
      tpu.enqueue_dma source(%arg9 : memref<128x128xf32, #tpu.memory_space<vmem>>) target(%dma_start3A_45 : memref<128x128xf32, #tpu.memory_space<vmem_shared>>) target_semaphore(%run_scoped3A : memref<!tpu.dma_semaphore, #tpu.memory_space<semaphore_mem>>)
      %dma_wait3A = arith.constant 0 : i32
      %dma_wait3A_46 = tpu.memref_slice %arg10[%mul3A_21, %dma_wait3A] : memref<10240x128xf32, #tpu.memory_space<vmem_shared>> -> memref<128x128xf32, #tpu.memory_space<vmem_shared>>
      %dma_wait3A_47 = arith.constant 0 : i32
      %dma_wait3A_48 = tpu.memref_slice %arg10[%mul3A_21, %dma_wait3A_47] : memref<10240x128xf32, #tpu.memory_space<vmem_shared>> -> memref<128x128xf32, #tpu.memory_space<vmem_shared>>
      tpu.wait_dma2 semaphore(%run_scoped3A : memref<!tpu.dma_semaphore, #tpu.memory_space<semaphore_mem>>) src(%arg9 : memref<128x128xf32, #tpu.memory_space<vmem>>) dst(%dma_wait3A_48 : memref<128x128xf32, #tpu.memory_space<vmem_shared>>)
      tpu.yield
    }) : () -> ()
    %mul3A_22 = arith.constant 5 : i32
    %mul3A_23 = arith.muli %arg1, %mul3A_22 : i32
    %add3A_24 = arith.constant 4 : i32
    %add3A_25 = arith.addi %mul3A_23, %add3A_24 : i32
    %mul3A_26 = arith.constant 128 : i32
    %mul3A_27 = arith.muli %add3A_25, %mul3A_26 : i32
    "tpu.region"() ({
      %run_scoped3A = tpu.sem_alloc : memref<!tpu.dma_semaphore, #tpu.memory_space<semaphore_mem>>
      %dma_start3A = arith.constant 0 : i32
      %dma_start3A_43 = tpu.memref_slice %arg10[%mul3A_27, %dma_start3A] : memref<10240x128xf32, #tpu.memory_space<vmem_shared>> -> memref<128x128xf32, #tpu.memory_space<vmem_shared>>
      %dma_start3A_44 = arith.constant 0 : i32
      %dma_start3A_45 = tpu.memref_slice %arg10[%mul3A_27, %dma_start3A_44] : memref<10240x128xf32, #tpu.memory_space<vmem_shared>> -> memref<128x128xf32, #tpu.memory_space<vmem_shared>>
      tpu.enqueue_dma source(%arg9 : memref<128x128xf32, #tpu.memory_space<vmem>>) target(%dma_start3A_45 : memref<128x128xf32, #tpu.memory_space<vmem_shared>>) target_semaphore(%run_scoped3A : memref<!tpu.dma_semaphore, #tpu.memory_space<semaphore_mem>>)
      %dma_wait3A = arith.constant 0 : i32
      %dma_wait3A_46 = tpu.memref_slice %arg10[%mul3A_27, %dma_wait3A] : memref<10240x128xf32, #tpu.memory_space<vmem_shared>> -> memref<128x128xf32, #tpu.memory_space<vmem_shared>>
      %dma_wait3A_47 = arith.constant 0 : i32
      %dma_wait3A_48 = tpu.memref_slice %arg10[%mul3A_27, %dma_wait3A_47] : memref<10240x128xf32, #tpu.memory_space<vmem_shared>> -> memref<128x128xf32, #tpu.memory_space<vmem_shared>>
      tpu.wait_dma2 semaphore(%run_scoped3A : memref<!tpu.dma_semaphore, #tpu.memory_space<semaphore_mem>>) src(%arg9 : memref<128x128xf32, #tpu.memory_space<vmem>>) dst(%dma_wait3A_48 : memref<128x128xf32, #tpu.memory_space<vmem_shared>>)
      tpu.yield
    }) : () -> ()
    %barrier3A = arith.constant 0 : index
    tpu.barrier barrier_id(%barrier3A)
    %mul3A_28 = arith.constant 2 : i32
    %mul3A_29 = arith.muli %arg1, %mul3A_28 : i32
    %add3A_30 = arith.addi %mul3A_29, %arg0 : i32
    %mul3A_31 = arith.constant 79 : i32
    %mul3A_32 = arith.muli %add3A_30, %mul3A_31 : i32
    %scan3A = arith.constant 0 : i32
    %scan3A_33 = arith.constant 0 : i32
    %scan3A_34 = arith.constant 79 : i32
    %scan3A_35 = arith.addi %scan3A_33, %scan3A_34 : i32
    %scan3A_36 = arith.constant 1 : i32
    scf.for %scan3A_43 = %scan3A_33 to %scan3A_35 step %scan3A_36  : i32 {
      %add3A_44 = arith.addi %mul3A_32, %scan3A_43 : i32
      %mul3A_45 = arith.constant 128 : i32
      %mul3A_46 = arith.muli %add3A_44, %mul3A_45 : i32
      "tpu.region"() ({
        %run_scoped3A = tpu.sem_alloc : memref<!tpu.dma_semaphore, #tpu.memory_space<semaphore_mem>>
        %dma_start3A_51 = tpu.memref_slice %arg2[%mul3A_46] : memref<323584xi32, #tpu.memory_space<hbm>> -> memref<128xi32, #tpu.memory_space<hbm>>
        %dma_start3A_52 = tpu.memref_slice %arg2[%mul3A_46] : memref<323584xi32, #tpu.memory_space<hbm>> -> memref<128xi32, #tpu.memory_space<hbm>>
        tpu.enqueue_dma source(%dma_start3A_52 : memref<128xi32, #tpu.memory_space<hbm>>) target(%arg7 : memref<128xi32, #tpu.memory_space<vmem>>) target_semaphore(%run_scoped3A : memref<!tpu.dma_semaphore, #tpu.memory_space<semaphore_mem>>)
        %dma_wait3A_53 = tpu.memref_slice %arg2[%mul3A_46] : memref<323584xi32, #tpu.memory_space<hbm>> -> memref<128xi32, #tpu.memory_space<hbm>>
        %dma_wait3A_54 = tpu.memref_slice %arg2[%mul3A_46] : memref<323584xi32, #tpu.memory_space<hbm>> -> memref<128xi32, #tpu.memory_space<hbm>>
        tpu.wait_dma2 semaphore(%run_scoped3A : memref<!tpu.dma_semaphore, #tpu.memory_space<semaphore_mem>>) src(%dma_wait3A_54 : memref<128xi32, #tpu.memory_space<hbm>>) dst(%arg7 : memref<128xi32, #tpu.memory_space<vmem>>)
        tpu.yield
      }) : () -> ()
      "tpu.region"() ({
        %run_scoped3A = tpu.sem_alloc : memref<!tpu.dma_semaphore, #tpu.memory_space<semaphore_mem>>
        %dma_start3A_51 = tpu.memref_slice %arg3[%mul3A_46] : memref<323584xi32, #tpu.memory_space<hbm>> -> memref<128xi32, #tpu.memory_space<hbm>>
        %dma_start3A_52 = tpu.memref_slice %arg3[%mul3A_46] : memref<323584xi32, #tpu.memory_space<hbm>> -> memref<128xi32, #tpu.memory_space<hbm>>
        tpu.enqueue_dma source(%dma_start3A_52 : memref<128xi32, #tpu.memory_space<hbm>>) target(%arg8 : memref<128xi32, #tpu.memory_space<vmem>>) target_semaphore(%run_scoped3A : memref<!tpu.dma_semaphore, #tpu.memory_space<semaphore_mem>>)
        %dma_wait3A_53 = tpu.memref_slice %arg3[%mul3A_46] : memref<323584xi32, #tpu.memory_space<hbm>> -> memref<128xi32, #tpu.memory_space<hbm>>
        %dma_wait3A_54 = tpu.memref_slice %arg3[%mul3A_46] : memref<323584xi32, #tpu.memory_space<hbm>> -> memref<128xi32, #tpu.memory_space<hbm>>
        tpu.wait_dma2 semaphore(%run_scoped3A : memref<!tpu.dma_semaphore, #tpu.memory_space<semaphore_mem>>) src(%dma_wait3A_54 : memref<128xi32, #tpu.memory_space<hbm>>) dst(%arg8 : memref<128xi32, #tpu.memory_space<vmem>>)
        tpu.yield
      }) : () -> ()
      %dma_start3A = arith.constant 0 : i32
      %dma_start3A_47 = arith.constant 0 : i32
      %dma_start3A_48 = tpu.memref_slice %arg4[%dma_start3A, %dma_start3A_47] : memref<10000x128xf32, #tpu.memory_space<hbm>> -> memref<10000x128xf32, #tpu.memory_space<hbm>>
      tpu.enqueue_indirect_dma source(%dma_start3A_48 : memref<10000x128xf32, #tpu.memory_space<hbm>>) target(%arg9 : memref<128x128xf32, #tpu.memory_space<vmem>>) offsets(%arg7 : memref<128xi32, #tpu.memory_space<vmem>>) semaphore(%arg11 : memref<!tpu.dma_semaphore, #tpu.memory_space<semaphore_mem>>)
      %dma_wait3A = arith.constant 0 : i32
      %dma_wait3A_49 = arith.constant 0 : i32
      %dma_wait3A_50 = tpu.memref_slice %arg4[%dma_wait3A, %dma_wait3A_49] : memref<10000x128xf32, #tpu.memory_space<hbm>> -> memref<10000x128xf32, #tpu.memory_space<hbm>>
      tpu.wait_indirect_dma semaphore(%arg11 : memref<!tpu.dma_semaphore, #tpu.memory_space<semaphore_mem>>) src(%dma_wait3A_50 : memref<10000x128xf32, #tpu.memory_space<hbm>>) dst(%arg9 : memref<128x128xf32, #tpu.memory_space<vmem>>)
      "tpu.region"() ({
        %run_scoped3A = tpu.sem_alloc : memref<!tpu.dma_semaphore, #tpu.memory_space<semaphore_mem>>
        %dma_start3A_51 = arith.constant 0 : i32
        %dma_start3A_52 = arith.constant 0 : i32
        %dma_start3A_53 = tpu.memref_slice %arg10[%dma_start3A_51, %dma_start3A_52] : memref<10240x128xf32, #tpu.memory_space<vmem_shared>> -> memref<10240x128xf32, #tpu.memory_space<vmem_shared>>
        tpu.enqueue_indirect_dma source(%arg9 : memref<128x128xf32, #tpu.memory_space<vmem>>) target(%dma_start3A_53 : memref<10240x128xf32, #tpu.memory_space<vmem_shared>>) offsets(%arg8 : memref<128xi32, #tpu.memory_space<vmem>>) semaphore(%run_scoped3A : memref<!tpu.dma_semaphore, #tpu.memory_space<semaphore_mem>>) {add = true}
        %dma_wait3A_54 = arith.constant 0 : i32
        %dma_wait3A_55 = arith.constant 0 : i32
        %dma_wait3A_56 = tpu.memref_slice %arg10[%dma_wait3A_54, %dma_wait3A_55] : memref<10240x128xf32, #tpu.memory_space<vmem_shared>> -> memref<10240x128xf32, #tpu.memory_space<vmem_shared>>
        tpu.wait_indirect_dma semaphore(%run_scoped3A : memref<!tpu.dma_semaphore, #tpu.memory_space<semaphore_mem>>) src(%arg9 : memref<128x128xf32, #tpu.memory_space<vmem>>) dst(%dma_wait3A_56 : memref<10240x128xf32, #tpu.memory_space<vmem_shared>>)
        tpu.yield
      }) : () -> ()
    }
    %scan3A_37 = arith.constant 79 : i32
    %barrier3A_38 = arith.constant 0 : index
    tpu.barrier barrier_id(%barrier3A_38)
    %mul3A_39 = arith.constant 640 : i32
    %mul3A_40 = arith.muli %arg1, %mul3A_39 : i32
    %mul3A_41 = arith.constant 640 : i32
    %mul3A_42 = arith.muli %arg1, %mul3A_41 : i32
    "tpu.region"() ({
      %run_scoped3A = tpu.sem_alloc : memref<!tpu.dma_semaphore, #tpu.memory_space<semaphore_mem>>
      %dma_start3A = arith.constant 0 : i32
      %dma_start3A_43 = tpu.memref_slice %arg6[%arg0, %mul3A_42, %dma_start3A] : memref<2x10240x128xf32, #tpu.memory_space<hbm>> -> memref<1x640x128xf32, #tpu.memory_space<hbm>>
      %dma_start3A_44 = tpu.memref_squeeze %dma_start3A_43 : memref<1x640x128xf32, #tpu.memory_space<hbm>> -> memref<640x128xf32, #tpu.memory_space<hbm>>
      %dma_start3A_45 = arith.constant 0 : i32
      %dma_start3A_46 = tpu.memref_slice %arg10[%mul3A_40, %dma_start3A_45] : memref<10240x128xf32, #tpu.memory_space<vmem_shared>> -> memref<640x128xf32, #tpu.memory_space<vmem_shared>>
      tpu.enqueue_dma source(%dma_start3A_46 : memref<640x128xf32, #tpu.memory_space<vmem_shared>>) target(%dma_start3A_44 : memref<640x128xf32, #tpu.memory_space<hbm>>) target_semaphore(%run_scoped3A : memref<!tpu.dma_semaphore, #tpu.memory_space<semaphore_mem>>)
      %dma_wait3A = arith.constant 0 : i32
      %dma_wait3A_47 = tpu.memref_slice %arg6[%arg0, %mul3A_42, %dma_wait3A] : memref<2x10240x128xf32, #tpu.memory_space<hbm>> -> memref<1x640x128xf32, #tpu.memory_space<hbm>>
      %dma_wait3A_48 = tpu.memref_squeeze %dma_wait3A_47 : memref<1x640x128xf32, #tpu.memory_space<hbm>> -> memref<640x128xf32, #tpu.memory_space<hbm>>
      %dma_wait3A_49 = arith.constant 0 : i32
      %dma_wait3A_50 = tpu.memref_slice %arg10[%mul3A_40, %dma_wait3A_49] : memref<10240x128xf32, #tpu.memory_space<vmem_shared>> -> memref<640x128xf32, #tpu.memory_space<vmem_shared>>
      tpu.wait_dma2 semaphore(%run_scoped3A : memref<!tpu.dma_semaphore, #tpu.memory_space<semaphore_mem>>) src(%dma_wait3A_50 : memref<640x128xf32, #tpu.memory_space<vmem_shared>>) dst(%dma_wait3A_48 : memref<640x128xf32, #tpu.memory_space<hbm>>)
      tpu.yield
    }) : () -> ()
    return
  }
}

#map = affine_map<(d0, d1) -> (0)>
#map1 = affine_map<(d0, d1) -> (0, 0)>
#map2 = affine_map<(d0, d1) -> (0, 0, 0)>
module attributes {stable_mosaic.version = 14 : i64} {
  func.func @_edge_body(%arg0: i32, %arg1: i32, %arg2: memref<323584xi32, #tpu.memory_space<hbm>>, %arg3: memref<323584xi32, #tpu.memory_space<hbm>>, %arg4: memref<10000x128xf32, #tpu.memory_space<hbm>>, %arg5: memref<128x128xf32, #tpu.memory_space<hbm>>, %arg6: memref<2x10240x128xf32, #tpu.memory_space<hbm>>, %arg7: memref<128xi32, #tpu.memory_space<vmem>>, %arg8: memref<128xi32, #tpu.memory_space<vmem>>, %arg9: memref<128x128xf32, #tpu.memory_space<vmem>>, %arg10: memref<10240x128xf32, #tpu.memory_space<vmem_shared>>, %arg11: memref<!tpu.dma_semaphore, #tpu.memory_space<semaphore_mem>>) attributes {dimension_semantics = [#tpu.dimension_semantics<core_parallel>, #tpu.dimension_semantics<subcore_parallel>], iteration_bounds = array<i64: 2, 16>, scalar_prefetch = 0 : i64, scratch_operands = 5 : i64, tpu.core_type = #tpu.core_type<sc_vector_subcore>, window_params = [{transform_indices = #map}, {transform_indices = #map}, {transform_indices = #map1}, {transform_indices = #map1}, {transform_indices = #map2}]} {
    "tpu.region"() ({
      %run_scoped3A = tpu.sem_alloc : memref<!tpu.dma_semaphore, #tpu.memory_space<semaphore_mem>>
      tpu.enqueue_dma source(%arg5 : memref<128x128xf32, #tpu.memory_space<hbm>>) target(%arg9 : memref<128x128xf32, #tpu.memory_space<vmem>>) target_semaphore(%run_scoped3A : memref<!tpu.dma_semaphore, #tpu.memory_space<semaphore_mem>>)
      tpu.wait_dma2 semaphore(%run_scoped3A : memref<!tpu.dma_semaphore, #tpu.memory_space<semaphore_mem>>) src(%arg5 : memref<128x128xf32, #tpu.memory_space<hbm>>) dst(%arg9 : memref<128x128xf32, #tpu.memory_space<vmem>>)
      tpu.yield
    }) : () -> ()
    %mul3A = arith.constant 5 : i32
    %mul3A_0 = arith.muli %arg1, %mul3A : i32
    %add3A = arith.constant 0 : i32
    %add3A_1 = arith.addi %mul3A_0, %add3A : i32
    %mul3A_2 = arith.constant 128 : i32
    %mul3A_3 = arith.muli %add3A_1, %mul3A_2 : i32
    "tpu.region"() ({
      %run_scoped3A = tpu.sem_alloc : memref<!tpu.dma_semaphore, #tpu.memory_space<semaphore_mem>>
      %dma_start3A = arith.constant 0 : i32
      %dma_start3A_43 = tpu.memref_slice %arg10[%mul3A_3, %dma_start3A] : memref<10240x128xf32, #tpu.memory_space<vmem_shared>> -> memref<128x128xf32, #tpu.memory_space<vmem_shared>>
      %dma_start3A_44 = arith.constant 0 : i32
      %dma_start3A_45 = tpu.memref_slice %arg10[%mul3A_3, %dma_start3A_44] : memref<10240x128xf32, #tpu.memory_space<vmem_shared>> -> memref<128x128xf32, #tpu.memory_space<vmem_shared>>
      tpu.enqueue_dma source(%arg9 : memref<128x128xf32, #tpu.memory_space<vmem>>) target(%dma_start3A_45 : memref<128x128xf32, #tpu.memory_space<vmem_shared>>) target_semaphore(%run_scoped3A : memref<!tpu.dma_semaphore, #tpu.memory_space<semaphore_mem>>)
      %dma_wait3A = arith.constant 0 : i32
      %dma_wait3A_46 = tpu.memref_slice %arg10[%mul3A_3, %dma_wait3A] : memref<10240x128xf32, #tpu.memory_space<vmem_shared>> -> memref<128x128xf32, #tpu.memory_space<vmem_shared>>
      %dma_wait3A_47 = arith.constant 0 : i32
      %dma_wait3A_48 = tpu.memref_slice %arg10[%mul3A_3, %dma_wait3A_47] : memref<10240x128xf32, #tpu.memory_space<vmem_shared>> -> memref<128x128xf32, #tpu.memory_space<vmem_shared>>
      tpu.wait_dma2 semaphore(%run_scoped3A : memref<!tpu.dma_semaphore, #tpu.memory_space<semaphore_mem>>) src(%arg9 : memref<128x128xf32, #tpu.memory_space<vmem>>) dst(%dma_wait3A_48 : memref<128x128xf32, #tpu.memory_space<vmem_shared>>)
      tpu.yield
    }) : () -> ()
    %mul3A_4 = arith.constant 5 : i32
    %mul3A_5 = arith.muli %arg1, %mul3A_4 : i32
    %add3A_6 = arith.constant 1 : i32
    %add3A_7 = arith.addi %mul3A_5, %add3A_6 : i32
    %mul3A_8 = arith.constant 128 : i32
    %mul3A_9 = arith.muli %add3A_7, %mul3A_8 : i32
    "tpu.region"() ({
      %run_scoped3A = tpu.sem_alloc : memref<!tpu.dma_semaphore, #tpu.memory_space<semaphore_mem>>
      %dma_start3A = arith.constant 0 : i32
      %dma_start3A_43 = tpu.memref_slice %arg10[%mul3A_9, %dma_start3A] : memref<10240x128xf32, #tpu.memory_space<vmem_shared>> -> memref<128x128xf32, #tpu.memory_space<vmem_shared>>
      %dma_start3A_44 = arith.constant 0 : i32
      %dma_start3A_45 = tpu.memref_slice %arg10[%mul3A_9, %dma_start3A_44] : memref<10240x128xf32, #tpu.memory_space<vmem_shared>> -> memref<128x128xf32, #tpu.memory_space<vmem_shared>>
      tpu.enqueue_dma source(%arg9 : memref<128x128xf32, #tpu.memory_space<vmem>>) target(%dma_start3A_45 : memref<128x128xf32, #tpu.memory_space<vmem_shared>>) target_semaphore(%run_scoped3A : memref<!tpu.dma_semaphore, #tpu.memory_space<semaphore_mem>>)
      %dma_wait3A = arith.constant 0 : i32
      %dma_wait3A_46 = tpu.memref_slice %arg10[%mul3A_9, %dma_wait3A] : memref<10240x128xf32, #tpu.memory_space<vmem_shared>> -> memref<128x128xf32, #tpu.memory_space<vmem_shared>>
      %dma_wait3A_47 = arith.constant 0 : i32
      %dma_wait3A_48 = tpu.memref_slice %arg10[%mul3A_9, %dma_wait3A_47] : memref<10240x128xf32, #tpu.memory_space<vmem_shared>> -> memref<128x128xf32, #tpu.memory_space<vmem_shared>>
      tpu.wait_dma2 semaphore(%run_scoped3A : memref<!tpu.dma_semaphore, #tpu.memory_space<semaphore_mem>>) src(%arg9 : memref<128x128xf32, #tpu.memory_space<vmem>>) dst(%dma_wait3A_48 : memref<128x128xf32, #tpu.memory_space<vmem_shared>>)
      tpu.yield
    }) : () -> ()
    %mul3A_10 = arith.constant 5 : i32
    %mul3A_11 = arith.muli %arg1, %mul3A_10 : i32
    %add3A_12 = arith.constant 2 : i32
    %add3A_13 = arith.addi %mul3A_11, %add3A_12 : i32
    %mul3A_14 = arith.constant 128 : i32
    %mul3A_15 = arith.muli %add3A_13, %mul3A_14 : i32
    "tpu.region"() ({
      %run_scoped3A = tpu.sem_alloc : memref<!tpu.dma_semaphore, #tpu.memory_space<semaphore_mem>>
      %dma_start3A = arith.constant 0 : i32
      %dma_start3A_43 = tpu.memref_slice %arg10[%mul3A_15, %dma_start3A] : memref<10240x128xf32, #tpu.memory_space<vmem_shared>> -> memref<128x128xf32, #tpu.memory_space<vmem_shared>>
      %dma_start3A_44 = arith.constant 0 : i32
      %dma_start3A_45 = tpu.memref_slice %arg10[%mul3A_15, %dma_start3A_44] : memref<10240x128xf32, #tpu.memory_space<vmem_shared>> -> memref<128x128xf32, #tpu.memory_space<vmem_shared>>
      tpu.enqueue_dma source(%arg9 : memref<128x128xf32, #tpu.memory_space<vmem>>) target(%dma_start3A_45 : memref<128x128xf32, #tpu.memory_space<vmem_shared>>) target_semaphore(%run_scoped3A : memref<!tpu.dma_semaphore, #tpu.memory_space<semaphore_mem>>)
      %dma_wait3A = arith.constant 0 : i32
      %dma_wait3A_46 = tpu.memref_slice %arg10[%mul3A_15, %dma_wait3A] : memref<10240x128xf32, #tpu.memory_space<vmem_shared>> -> memref<128x128xf32, #tpu.memory_space<vmem_shared>>
      %dma_wait3A_47 = arith.constant 0 : i32
      %dma_wait3A_48 = tpu.memref_slice %arg10[%mul3A_15, %dma_wait3A_47] : memref<10240x128xf32, #tpu.memory_space<vmem_shared>> -> memref<128x128xf32, #tpu.memory_space<vmem_shared>>
      tpu.wait_dma2 semaphore(%run_scoped3A : memref<!tpu.dma_semaphore, #tpu.memory_space<semaphore_mem>>) src(%arg9 : memref<128x128xf32, #tpu.memory_space<vmem>>) dst(%dma_wait3A_48 : memref<128x128xf32, #tpu.memory_space<vmem_shared>>)
      tpu.yield
    }) : () -> ()
    %mul3A_16 = arith.constant 5 : i32
    %mul3A_17 = arith.muli %arg1, %mul3A_16 : i32
    %add3A_18 = arith.constant 3 : i32
    %add3A_19 = arith.addi %mul3A_17, %add3A_18 : i32
    %mul3A_20 = arith.constant 128 : i32
    %mul3A_21 = arith.muli %add3A_19, %mul3A_20 : i32
    "tpu.region"() ({
      %run_scoped3A = tpu.sem_alloc : memref<!tpu.dma_semaphore, #tpu.memory_space<semaphore_mem>>
      %dma_start3A = arith.constant 0 : i32
      %dma_start3A_43 = tpu.memref_slice %arg10[%mul3A_21, %dma_start3A] : memref<10240x128xf32, #tpu.memory_space<vmem_shared>> -> memref<128x128xf32, #tpu.memory_space<vmem_shared>>
      %dma_start3A_44 = arith.constant 0 : i32
      %dma_start3A_45 = tpu.memref_slice %arg10[%mul3A_21, %dma_start3A_44] : memref<10240x128xf32, #tpu.memory_space<vmem_shared>> -> memref<128x128xf32, #tpu.memory_space<vmem_shared>>
      tpu.enqueue_dma source(%arg9 : memref<128x128xf32, #tpu.memory_space<vmem>>) target(%dma_start3A_45 : memref<128x128xf32, #tpu.memory_space<vmem_shared>>) target_semaphore(%run_scoped3A : memref<!tpu.dma_semaphore, #tpu.memory_space<semaphore_mem>>)
      %dma_wait3A = arith.constant 0 : i32
      %dma_wait3A_46 = tpu.memref_slice %arg10[%mul3A_21, %dma_wait3A] : memref<10240x128xf32, #tpu.memory_space<vmem_shared>> -> memref<128x128xf32, #tpu.memory_space<vmem_shared>>
      %dma_wait3A_47 = arith.constant 0 : i32
      %dma_wait3A_48 = tpu.memref_slice %arg10[%mul3A_21, %dma_wait3A_47] : memref<10240x128xf32, #tpu.memory_space<vmem_shared>> -> memref<128x128xf32, #tpu.memory_space<vmem_shared>>
      tpu.wait_dma2 semaphore(%run_scoped3A : memref<!tpu.dma_semaphore, #tpu.memory_space<semaphore_mem>>) src(%arg9 : memref<128x128xf32, #tpu.memory_space<vmem>>) dst(%dma_wait3A_48 : memref<128x128xf32, #tpu.memory_space<vmem_shared>>)
      tpu.yield
    }) : () -> ()
    %mul3A_22 = arith.constant 5 : i32
    %mul3A_23 = arith.muli %arg1, %mul3A_22 : i32
    %add3A_24 = arith.constant 4 : i32
    %add3A_25 = arith.addi %mul3A_23, %add3A_24 : i32
    %mul3A_26 = arith.constant 128 : i32
    %mul3A_27 = arith.muli %add3A_25, %mul3A_26 : i32
    "tpu.region"() ({
      %run_scoped3A = tpu.sem_alloc : memref<!tpu.dma_semaphore, #tpu.memory_space<semaphore_mem>>
      %dma_start3A = arith.constant 0 : i32
      %dma_start3A_43 = tpu.memref_slice %arg10[%mul3A_27, %dma_start3A] : memref<10240x128xf32, #tpu.memory_space<vmem_shared>> -> memref<128x128xf32, #tpu.memory_space<vmem_shared>>
      %dma_start3A_44 = arith.constant 0 : i32
      %dma_start3A_45 = tpu.memref_slice %arg10[%mul3A_27, %dma_start3A_44] : memref<10240x128xf32, #tpu.memory_space<vmem_shared>> -> memref<128x128xf32, #tpu.memory_space<vmem_shared>>
      tpu.enqueue_dma source(%arg9 : memref<128x128xf32, #tpu.memory_space<vmem>>) target(%dma_start3A_45 : memref<128x128xf32, #tpu.memory_space<vmem_shared>>) target_semaphore(%run_scoped3A : memref<!tpu.dma_semaphore, #tpu.memory_space<semaphore_mem>>)
      %dma_wait3A = arith.constant 0 : i32
      %dma_wait3A_46 = tpu.memref_slice %arg10[%mul3A_27, %dma_wait3A] : memref<10240x128xf32, #tpu.memory_space<vmem_shared>> -> memref<128x128xf32, #tpu.memory_space<vmem_shared>>
      %dma_wait3A_47 = arith.constant 0 : i32
      %dma_wait3A_48 = tpu.memref_slice %arg10[%mul3A_27, %dma_wait3A_47] : memref<10240x128xf32, #tpu.memory_space<vmem_shared>> -> memref<128x128xf32, #tpu.memory_space<vmem_shared>>
      tpu.wait_dma2 semaphore(%run_scoped3A : memref<!tpu.dma_semaphore, #tpu.memory_space<semaphore_mem>>) src(%arg9 : memref<128x128xf32, #tpu.memory_space<vmem>>) dst(%dma_wait3A_48 : memref<128x128xf32, #tpu.memory_space<vmem_shared>>)
      tpu.yield
    }) : () -> ()
    %barrier3A = arith.constant 0 : index
    tpu.barrier barrier_id(%barrier3A)
    %mul3A_28 = arith.constant 2 : i32
    %mul3A_29 = arith.muli %arg1, %mul3A_28 : i32
    %add3A_30 = arith.addi %mul3A_29, %arg0 : i32
    %mul3A_31 = arith.constant 79 : i32
    %mul3A_32 = arith.muli %add3A_30, %mul3A_31 : i32
    %scan3A = arith.constant 0 : i32
    %scan3A_33 = arith.constant 0 : i32
    %scan3A_34 = arith.constant 79 : i32
    %scan3A_35 = arith.addi %scan3A_33, %scan3A_34 : i32
    %scan3A_36 = arith.constant 1 : i32
    scf.for %scan3A_43 = %scan3A_33 to %scan3A_35 step %scan3A_36  : i32 {
      %add3A_44 = arith.addi %mul3A_32, %scan3A_43 : i32
      %mul3A_45 = arith.constant 128 : i32
      %mul3A_46 = arith.muli %add3A_44, %mul3A_45 : i32
      "tpu.region"() ({
        %run_scoped3A = tpu.sem_alloc : memref<!tpu.dma_semaphore, #tpu.memory_space<semaphore_mem>>
        %dma_start3A_51 = tpu.memref_slice %arg2[%mul3A_46] : memref<323584xi32, #tpu.memory_space<hbm>> -> memref<128xi32, #tpu.memory_space<hbm>>
        %dma_start3A_52 = tpu.memref_slice %arg2[%mul3A_46] : memref<323584xi32, #tpu.memory_space<hbm>> -> memref<128xi32, #tpu.memory_space<hbm>>
        tpu.enqueue_dma source(%dma_start3A_52 : memref<128xi32, #tpu.memory_space<hbm>>) target(%arg7 : memref<128xi32, #tpu.memory_space<vmem>>) target_semaphore(%run_scoped3A : memref<!tpu.dma_semaphore, #tpu.memory_space<semaphore_mem>>)
        %dma_wait3A_53 = tpu.memref_slice %arg2[%mul3A_46] : memref<323584xi32, #tpu.memory_space<hbm>> -> memref<128xi32, #tpu.memory_space<hbm>>
        %dma_wait3A_54 = tpu.memref_slice %arg2[%mul3A_46] : memref<323584xi32, #tpu.memory_space<hbm>> -> memref<128xi32, #tpu.memory_space<hbm>>
        tpu.wait_dma2 semaphore(%run_scoped3A : memref<!tpu.dma_semaphore, #tpu.memory_space<semaphore_mem>>) src(%dma_wait3A_54 : memref<128xi32, #tpu.memory_space<hbm>>) dst(%arg7 : memref<128xi32, #tpu.memory_space<vmem>>)
        tpu.yield
      }) : () -> ()
      "tpu.region"() ({
        %run_scoped3A = tpu.sem_alloc : memref<!tpu.dma_semaphore, #tpu.memory_space<semaphore_mem>>
        %dma_start3A_51 = tpu.memref_slice %arg3[%mul3A_46] : memref<323584xi32, #tpu.memory_space<hbm>> -> memref<128xi32, #tpu.memory_space<hbm>>
        %dma_start3A_52 = tpu.memref_slice %arg3[%mul3A_46] : memref<323584xi32, #tpu.memory_space<hbm>> -> memref<128xi32, #tpu.memory_space<hbm>>
        tpu.enqueue_dma source(%dma_start3A_52 : memref<128xi32, #tpu.memory_space<hbm>>) target(%arg8 : memref<128xi32, #tpu.memory_space<vmem>>) target_semaphore(%run_scoped3A : memref<!tpu.dma_semaphore, #tpu.memory_space<semaphore_mem>>)
        %dma_wait3A_53 = tpu.memref_slice %arg3[%mul3A_46] : memref<323584xi32, #tpu.memory_space<hbm>> -> memref<128xi32, #tpu.memory_space<hbm>>
        %dma_wait3A_54 = tpu.memref_slice %arg3[%mul3A_46] : memref<323584xi32, #tpu.memory_space<hbm>> -> memref<128xi32, #tpu.memory_space<hbm>>
        tpu.wait_dma2 semaphore(%run_scoped3A : memref<!tpu.dma_semaphore, #tpu.memory_space<semaphore_mem>>) src(%dma_wait3A_54 : memref<128xi32, #tpu.memory_space<hbm>>) dst(%arg8 : memref<128xi32, #tpu.memory_space<vmem>>)
        tpu.yield
      }) : () -> ()
      %dma_start3A = arith.constant 0 : i32
      %dma_start3A_47 = arith.constant 0 : i32
      %dma_start3A_48 = tpu.memref_slice %arg4[%dma_start3A, %dma_start3A_47] : memref<10000x128xf32, #tpu.memory_space<hbm>> -> memref<10000x128xf32, #tpu.memory_space<hbm>>
      tpu.enqueue_indirect_dma source(%dma_start3A_48 : memref<10000x128xf32, #tpu.memory_space<hbm>>) target(%arg9 : memref<128x128xf32, #tpu.memory_space<vmem>>) offsets(%arg7 : memref<128xi32, #tpu.memory_space<vmem>>) semaphore(%arg11 : memref<!tpu.dma_semaphore, #tpu.memory_space<semaphore_mem>>)
      %dma_wait3A = arith.constant 0 : i32
      %dma_wait3A_49 = arith.constant 0 : i32
      %dma_wait3A_50 = tpu.memref_slice %arg4[%dma_wait3A, %dma_wait3A_49] : memref<10000x128xf32, #tpu.memory_space<hbm>> -> memref<10000x128xf32, #tpu.memory_space<hbm>>
      tpu.wait_indirect_dma semaphore(%arg11 : memref<!tpu.dma_semaphore, #tpu.memory_space<semaphore_mem>>) src(%dma_wait3A_50 : memref<10000x128xf32, #tpu.memory_space<hbm>>) dst(%arg9 : memref<128x128xf32, #tpu.memory_space<vmem>>)
      "tpu.region"() ({
        %run_scoped3A = tpu.sem_alloc : memref<!tpu.dma_semaphore, #tpu.memory_space<semaphore_mem>>
        %dma_start3A_51 = arith.constant 0 : i32
        %dma_start3A_52 = arith.constant 0 : i32
        %dma_start3A_53 = tpu.memref_slice %arg10[%dma_start3A_51, %dma_start3A_52] : memref<10240x128xf32, #tpu.memory_space<vmem_shared>> -> memref<10240x128xf32, #tpu.memory_space<vmem_shared>>
        tpu.enqueue_indirect_dma source(%arg9 : memref<128x128xf32, #tpu.memory_space<vmem>>) target(%dma_start3A_53 : memref<10240x128xf32, #tpu.memory_space<vmem_shared>>) offsets(%arg8 : memref<128xi32, #tpu.memory_space<vmem>>) semaphore(%run_scoped3A : memref<!tpu.dma_semaphore, #tpu.memory_space<semaphore_mem>>) {add = true}
        %dma_wait3A_54 = arith.constant 0 : i32
        %dma_wait3A_55 = arith.constant 0 : i32
        %dma_wait3A_56 = tpu.memref_slice %arg10[%dma_wait3A_54, %dma_wait3A_55] : memref<10240x128xf32, #tpu.memory_space<vmem_shared>> -> memref<10240x128xf32, #tpu.memory_space<vmem_shared>>
        tpu.wait_indirect_dma semaphore(%run_scoped3A : memref<!tpu.dma_semaphore, #tpu.memory_space<semaphore_mem>>) src(%arg9 : memref<128x128xf32, #tpu.memory_space<vmem>>) dst(%dma_wait3A_56 : memref<10240x128xf32, #tpu.memory_space<vmem_shared>>)
        tpu.yield
      }) : () -> ()
    }
    %scan3A_37 = arith.constant 79 : i32
    %barrier3A_38 = arith.constant 0 : index
    tpu.barrier barrier_id(%barrier3A_38)
    %mul3A_39 = arith.constant 640 : i32
    %mul3A_40 = arith.muli %arg1, %mul3A_39 : i32
    %mul3A_41 = arith.constant 640 : i32
    %mul3A_42 = arith.muli %arg1, %mul3A_41 : i32
    "tpu.region"() ({
      %run_scoped3A = tpu.sem_alloc : memref<!tpu.dma_semaphore, #tpu.memory_space<semaphore_mem>>
      %dma_start3A = arith.constant 0 : i32
      %dma_start3A_43 = tpu.memref_slice %arg6[%arg0, %mul3A_42, %dma_start3A] : memref<2x10240x128xf32, #tpu.memory_space<hbm>> -> memref<1x640x128xf32, #tpu.memory_space<hbm>>
      %dma_start3A_44 = tpu.memref_squeeze %dma_start3A_43 : memref<1x640x128xf32, #tpu.memory_space<hbm>> -> memref<640x128xf32, #tpu.memory_space<hbm>>
      %dma_start3A_45 = arith.constant 0 : i32
      %dma_start3A_46 = tpu.memref_slice %arg10[%mul3A_40, %dma_start3A_45] : memref<10240x128xf32, #tpu.memory_space<vmem_shared>> -> memref<640x128xf32, #tpu.memory_space<vmem_shared>>
      tpu.enqueue_dma source(%dma_start3A_46 : memref<640x128xf32, #tpu.memory_space<vmem_shared>>) target(%dma_start3A_44 : memref<640x128xf32, #tpu.memory_space<hbm>>) target_semaphore(%run_scoped3A : memref<!tpu.dma_semaphore, #tpu.memory_space<semaphore_mem>>)
      %dma_wait3A = arith.constant 0 : i32
      %dma_wait3A_47 = tpu.memref_slice %arg6[%arg0, %mul3A_42, %dma_wait3A] : memref<2x10240x128xf32, #tpu.memory_space<hbm>> -> memref<1x640x128xf32, #tpu.memory_space<hbm>>
      %dma_wait3A_48 = tpu.memref_squeeze %dma_wait3A_47 : memref<1x640x128xf32, #tpu.memory_space<hbm>> -> memref<640x128xf32, #tpu.memory_space<hbm>>
      %dma_wait3A_49 = arith.constant 0 : i32
      %dma_wait3A_50 = tpu.memref_slice %arg10[%mul3A_40, %dma_wait3A_49] : memref<10240x128xf32, #tpu.memory_space<vmem_shared>> -> memref<640x128xf32, #tpu.memory_space<vmem_shared>>
      tpu.wait_dma2 semaphore(%run_scoped3A : memref<!tpu.dma_semaphore, #tpu.memory_space<semaphore_mem>>) src(%dma_wait3A_50 : memref<640x128xf32, #tpu.memory_space<vmem_shared>>) dst(%dma_wait3A_48 : memref<640x128xf32, #tpu.memory_space<hbm>>)
      tpu.yield
    }) : () -> ()
    return
  }
}

#map = affine_map<(d0, d1) -> (0)>
#map1 = affine_map<(d0, d1) -> (0, 0)>
#map2 = affine_map<(d0, d1) -> (0, 0, 0)>
module attributes {stable_mosaic.version = 14 : i64} {
  func.func @_deg_body(%arg0: i32, %arg1: i32, %arg2: memref<323584xi32, #tpu.memory_space<hbm>>, %arg3: memref<128x128xf32, #tpu.memory_space<hbm>>, %arg4: memref<128x128xf32, #tpu.memory_space<hbm>>, %arg5: memref<2x10240x128xf32, #tpu.memory_space<hbm>>, %arg6: memref<128xi32, #tpu.memory_space<vmem>>, %arg7: memref<128x128xf32, #tpu.memory_space<vmem>>, %arg8: memref<10240x128xf32, #tpu.memory_space<vmem_shared>>) attributes {dimension_semantics = [#tpu.dimension_semantics<core_parallel>, #tpu.dimension_semantics<subcore_parallel>], iteration_bounds = array<i64: 2, 16>, scalar_prefetch = 0 : i64, scratch_operands = 3 : i64, tpu.core_type = #tpu.core_type<sc_vector_subcore>, window_params = [{transform_indices = #map}, {transform_indices = #map1}, {transform_indices = #map1}, {transform_indices = #map2}]} {
    %mul3A = arith.constant 2 : i32
    %mul3A_0 = arith.muli %arg1, %mul3A : i32
    %add3A = arith.addi %mul3A_0, %arg0 : i32
    "tpu.region"() ({
      %run_scoped3A = tpu.sem_alloc : memref<!tpu.dma_semaphore, #tpu.memory_space<semaphore_mem>>
      tpu.enqueue_dma source(%arg4 : memref<128x128xf32, #tpu.memory_space<hbm>>) target(%arg7 : memref<128x128xf32, #tpu.memory_space<vmem>>) target_semaphore(%run_scoped3A : memref<!tpu.dma_semaphore, #tpu.memory_space<semaphore_mem>>)
      tpu.wait_dma2 semaphore(%run_scoped3A : memref<!tpu.dma_semaphore, #tpu.memory_space<semaphore_mem>>) src(%arg4 : memref<128x128xf32, #tpu.memory_space<hbm>>) dst(%arg7 : memref<128x128xf32, #tpu.memory_space<vmem>>)
      tpu.yield
    }) : () -> ()
    %mul3A_1 = arith.constant 5 : i32
    %mul3A_2 = arith.muli %arg1, %mul3A_1 : i32
    %add3A_3 = arith.constant 0 : i32
    %add3A_4 = arith.addi %mul3A_2, %add3A_3 : i32
    %mul3A_5 = arith.constant 128 : i32
    %mul3A_6 = arith.muli %add3A_4, %mul3A_5 : i32
    "tpu.region"() ({
      %run_scoped3A = tpu.sem_alloc : memref<!tpu.dma_semaphore, #tpu.memory_space<semaphore_mem>>
      %dma_start3A = arith.constant 0 : i32
      %dma_start3A_41 = tpu.memref_slice %arg8[%mul3A_6, %dma_start3A] : memref<10240x128xf32, #tpu.memory_space<vmem_shared>> -> memref<128x128xf32, #tpu.memory_space<vmem_shared>>
      %dma_start3A_42 = arith.constant 0 : i32
      %dma_start3A_43 = tpu.memref_slice %arg8[%mul3A_6, %dma_start3A_42] : memref<10240x128xf32, #tpu.memory_space<vmem_shared>> -> memref<128x128xf32, #tpu.memory_space<vmem_shared>>
      tpu.enqueue_dma source(%arg7 : memref<128x128xf32, #tpu.memory_space<vmem>>) target(%dma_start3A_43 : memref<128x128xf32, #tpu.memory_space<vmem_shared>>) target_semaphore(%run_scoped3A : memref<!tpu.dma_semaphore, #tpu.memory_space<semaphore_mem>>)
      %dma_wait3A = arith.constant 0 : i32
      %dma_wait3A_44 = tpu.memref_slice %arg8[%mul3A_6, %dma_wait3A] : memref<10240x128xf32, #tpu.memory_space<vmem_shared>> -> memref<128x128xf32, #tpu.memory_space<vmem_shared>>
      %dma_wait3A_45 = arith.constant 0 : i32
      %dma_wait3A_46 = tpu.memref_slice %arg8[%mul3A_6, %dma_wait3A_45] : memref<10240x128xf32, #tpu.memory_space<vmem_shared>> -> memref<128x128xf32, #tpu.memory_space<vmem_shared>>
      tpu.wait_dma2 semaphore(%run_scoped3A : memref<!tpu.dma_semaphore, #tpu.memory_space<semaphore_mem>>) src(%arg7 : memref<128x128xf32, #tpu.memory_space<vmem>>) dst(%dma_wait3A_46 : memref<128x128xf32, #tpu.memory_space<vmem_shared>>)
      tpu.yield
    }) : () -> ()
    %mul3A_7 = arith.constant 5 : i32
    %mul3A_8 = arith.muli %arg1, %mul3A_7 : i32
    %add3A_9 = arith.constant 1 : i32
    %add3A_10 = arith.addi %mul3A_8, %add3A_9 : i32
    %mul3A_11 = arith.constant 128 : i32
    %mul3A_12 = arith.muli %add3A_10, %mul3A_11 : i32
    "tpu.region"() ({
      %run_scoped3A = tpu.sem_alloc : memref<!tpu.dma_semaphore, #tpu.memory_space<semaphore_mem>>
      %dma_start3A = arith.constant 0 : i32
      %dma_start3A_41 = tpu.memref_slice %arg8[%mul3A_12, %dma_start3A] : memref<10240x128xf32, #tpu.memory_space<vmem_shared>> -> memref<128x128xf32, #tpu.memory_space<vmem_shared>>
      %dma_start3A_42 = arith.constant 0 : i32
      %dma_start3A_43 = tpu.memref_slice %arg8[%mul3A_12, %dma_start3A_42] : memref<10240x128xf32, #tpu.memory_space<vmem_shared>> -> memref<128x128xf32, #tpu.memory_space<vmem_shared>>
      tpu.enqueue_dma source(%arg7 : memref<128x128xf32, #tpu.memory_space<vmem>>) target(%dma_start3A_43 : memref<128x128xf32, #tpu.memory_space<vmem_shared>>) target_semaphore(%run_scoped3A : memref<!tpu.dma_semaphore, #tpu.memory_space<semaphore_mem>>)
      %dma_wait3A = arith.constant 0 : i32
      %dma_wait3A_44 = tpu.memref_slice %arg8[%mul3A_12, %dma_wait3A] : memref<10240x128xf32, #tpu.memory_space<vmem_shared>> -> memref<128x128xf32, #tpu.memory_space<vmem_shared>>
      %dma_wait3A_45 = arith.constant 0 : i32
      %dma_wait3A_46 = tpu.memref_slice %arg8[%mul3A_12, %dma_wait3A_45] : memref<10240x128xf32, #tpu.memory_space<vmem_shared>> -> memref<128x128xf32, #tpu.memory_space<vmem_shared>>
      tpu.wait_dma2 semaphore(%run_scoped3A : memref<!tpu.dma_semaphore, #tpu.memory_space<semaphore_mem>>) src(%arg7 : memref<128x128xf32, #tpu.memory_space<vmem>>) dst(%dma_wait3A_46 : memref<128x128xf32, #tpu.memory_space<vmem_shared>>)
      tpu.yield
    }) : () -> ()
    %mul3A_13 = arith.constant 5 : i32
    %mul3A_14 = arith.muli %arg1, %mul3A_13 : i32
    %add3A_15 = arith.constant 2 : i32
    %add3A_16 = arith.addi %mul3A_14, %add3A_15 : i32
    %mul3A_17 = arith.constant 128 : i32
    %mul3A_18 = arith.muli %add3A_16, %mul3A_17 : i32
    "tpu.region"() ({
      %run_scoped3A = tpu.sem_alloc : memref<!tpu.dma_semaphore, #tpu.memory_space<semaphore_mem>>
      %dma_start3A = arith.constant 0 : i32
      %dma_start3A_41 = tpu.memref_slice %arg8[%mul3A_18, %dma_start3A] : memref<10240x128xf32, #tpu.memory_space<vmem_shared>> -> memref<128x128xf32, #tpu.memory_space<vmem_shared>>
      %dma_start3A_42 = arith.constant 0 : i32
      %dma_start3A_43 = tpu.memref_slice %arg8[%mul3A_18, %dma_start3A_42] : memref<10240x128xf32, #tpu.memory_space<vmem_shared>> -> memref<128x128xf32, #tpu.memory_space<vmem_shared>>
      tpu.enqueue_dma source(%arg7 : memref<128x128xf32, #tpu.memory_space<vmem>>) target(%dma_start3A_43 : memref<128x128xf32, #tpu.memory_space<vmem_shared>>) target_semaphore(%run_scoped3A : memref<!tpu.dma_semaphore, #tpu.memory_space<semaphore_mem>>)
      %dma_wait3A = arith.constant 0 : i32
      %dma_wait3A_44 = tpu.memref_slice %arg8[%mul3A_18, %dma_wait3A] : memref<10240x128xf32, #tpu.memory_space<vmem_shared>> -> memref<128x128xf32, #tpu.memory_space<vmem_shared>>
      %dma_wait3A_45 = arith.constant 0 : i32
      %dma_wait3A_46 = tpu.memref_slice %arg8[%mul3A_18, %dma_wait3A_45] : memref<10240x128xf32, #tpu.memory_space<vmem_shared>> -> memref<128x128xf32, #tpu.memory_space<vmem_shared>>
      tpu.wait_dma2 semaphore(%run_scoped3A : memref<!tpu.dma_semaphore, #tpu.memory_space<semaphore_mem>>) src(%arg7 : memref<128x128xf32, #tpu.memory_space<vmem>>) dst(%dma_wait3A_46 : memref<128x128xf32, #tpu.memory_space<vmem_shared>>)
      tpu.yield
    }) : () -> ()
    %mul3A_19 = arith.constant 5 : i32
    %mul3A_20 = arith.muli %arg1, %mul3A_19 : i32
    %add3A_21 = arith.constant 3 : i32
    %add3A_22 = arith.addi %mul3A_20, %add3A_21 : i32
    %mul3A_23 = arith.constant 128 : i32
    %mul3A_24 = arith.muli %add3A_22, %mul3A_23 : i32
    "tpu.region"() ({
      %run_scoped3A = tpu.sem_alloc : memref<!tpu.dma_semaphore, #tpu.memory_space<semaphore_mem>>
      %dma_start3A = arith.constant 0 : i32
      %dma_start3A_41 = tpu.memref_slice %arg8[%mul3A_24, %dma_start3A] : memref<10240x128xf32, #tpu.memory_space<vmem_shared>> -> memref<128x128xf32, #tpu.memory_space<vmem_shared>>
      %dma_start3A_42 = arith.constant 0 : i32
      %dma_start3A_43 = tpu.memref_slice %arg8[%mul3A_24, %dma_start3A_42] : memref<10240x128xf32, #tpu.memory_space<vmem_shared>> -> memref<128x128xf32, #tpu.memory_space<vmem_shared>>
      tpu.enqueue_dma source(%arg7 : memref<128x128xf32, #tpu.memory_space<vmem>>) target(%dma_start3A_43 : memref<128x128xf32, #tpu.memory_space<vmem_shared>>) target_semaphore(%run_scoped3A : memref<!tpu.dma_semaphore, #tpu.memory_space<semaphore_mem>>)
      %dma_wait3A = arith.constant 0 : i32
      %dma_wait3A_44 = tpu.memref_slice %arg8[%mul3A_24, %dma_wait3A] : memref<10240x128xf32, #tpu.memory_space<vmem_shared>> -> memref<128x128xf32, #tpu.memory_space<vmem_shared>>
      %dma_wait3A_45 = arith.constant 0 : i32
      %dma_wait3A_46 = tpu.memref_slice %arg8[%mul3A_24, %dma_wait3A_45] : memref<10240x128xf32, #tpu.memory_space<vmem_shared>> -> memref<128x128xf32, #tpu.memory_space<vmem_shared>>
      tpu.wait_dma2 semaphore(%run_scoped3A : memref<!tpu.dma_semaphore, #tpu.memory_space<semaphore_mem>>) src(%arg7 : memref<128x128xf32, #tpu.memory_space<vmem>>) dst(%dma_wait3A_46 : memref<128x128xf32, #tpu.memory_space<vmem_shared>>)
      tpu.yield
    }) : () -> ()
    %mul3A_25 = arith.constant 5 : i32
    %mul3A_26 = arith.muli %arg1, %mul3A_25 : i32
    %add3A_27 = arith.constant 4 : i32
    %add3A_28 = arith.addi %mul3A_26, %add3A_27 : i32
    %mul3A_29 = arith.constant 128 : i32
    %mul3A_30 = arith.muli %add3A_28, %mul3A_29 : i32
    "tpu.region"() ({
      %run_scoped3A = tpu.sem_alloc : memref<!tpu.dma_semaphore, #tpu.memory_space<semaphore_mem>>
      %dma_start3A = arith.constant 0 : i32
      %dma_start3A_41 = tpu.memref_slice %arg8[%mul3A_30, %dma_start3A] : memref<10240x128xf32, #tpu.memory_space<vmem_shared>> -> memref<128x128xf32, #tpu.memory_space<vmem_shared>>
      %dma_start3A_42 = arith.constant 0 : i32
      %dma_start3A_43 = tpu.memref_slice %arg8[%mul3A_30, %dma_start3A_42] : memref<10240x128xf32, #tpu.memory_space<vmem_shared>> -> memref<128x128xf32, #tpu.memory_space<vmem_shared>>
      tpu.enqueue_dma source(%arg7 : memref<128x128xf32, #tpu.memory_space<vmem>>) target(%dma_start3A_43 : memref<128x128xf32, #tpu.memory_space<vmem_shared>>) target_semaphore(%run_scoped3A : memref<!tpu.dma_semaphore, #tpu.memory_space<semaphore_mem>>)
      %dma_wait3A = arith.constant 0 : i32
      %dma_wait3A_44 = tpu.memref_slice %arg8[%mul3A_30, %dma_wait3A] : memref<10240x128xf32, #tpu.memory_space<vmem_shared>> -> memref<128x128xf32, #tpu.memory_space<vmem_shared>>
      %dma_wait3A_45 = arith.constant 0 : i32
      %dma_wait3A_46 = tpu.memref_slice %arg8[%mul3A_30, %dma_wait3A_45] : memref<10240x128xf32, #tpu.memory_space<vmem_shared>> -> memref<128x128xf32, #tpu.memory_space<vmem_shared>>
      tpu.wait_dma2 semaphore(%run_scoped3A : memref<!tpu.dma_semaphore, #tpu.memory_space<semaphore_mem>>) src(%arg7 : memref<128x128xf32, #tpu.memory_space<vmem>>) dst(%dma_wait3A_46 : memref<128x128xf32, #tpu.memory_space<vmem_shared>>)
      tpu.yield
    }) : () -> ()
    "tpu.region"() ({
      %run_scoped3A = tpu.sem_alloc : memref<!tpu.dma_semaphore, #tpu.memory_space<semaphore_mem>>
      tpu.enqueue_dma source(%arg3 : memref<128x128xf32, #tpu.memory_space<hbm>>) target(%arg7 : memref<128x128xf32, #tpu.memory_space<vmem>>) target_semaphore(%run_scoped3A : memref<!tpu.dma_semaphore, #tpu.memory_space<semaphore_mem>>)
      tpu.wait_dma2 semaphore(%run_scoped3A : memref<!tpu.dma_semaphore, #tpu.memory_space<semaphore_mem>>) src(%arg3 : memref<128x128xf32, #tpu.memory_space<hbm>>) dst(%arg7 : memref<128x128xf32, #tpu.memory_space<vmem>>)
      tpu.yield
    }) : () -> ()
    %barrier3A = arith.constant 0 : index
    tpu.barrier barrier_id(%barrier3A)
    %scan3A = arith.constant 0 : i32
    %scan3A_31 = arith.constant 0 : i32
    %scan3A_32 = arith.constant 79 : i32
    %scan3A_33 = arith.addi %scan3A_31, %scan3A_32 : i32
    %scan3A_34 = arith.constant 1 : i32
    scf.for %scan3A_41 = %scan3A_31 to %scan3A_33 step %scan3A_34  : i32 {
      %mul3A_42 = arith.constant 79 : i32
      %mul3A_43 = arith.muli %add3A, %mul3A_42 : i32
      %add3A_44 = arith.addi %mul3A_43, %scan3A_41 : i32
      %mul3A_45 = arith.constant 128 : i32
      %mul3A_46 = arith.muli %add3A_44, %mul3A_45 : i32
      "tpu.region"() ({
        %run_scoped3A = tpu.sem_alloc : memref<!tpu.dma_semaphore, #tpu.memory_space<semaphore_mem>>
        %dma_start3A = tpu.memref_slice %arg2[%mul3A_46] : memref<323584xi32, #tpu.memory_space<hbm>> -> memref<128xi32, #tpu.memory_space<hbm>>
        %dma_start3A_47 = tpu.memref_slice %arg2[%mul3A_46] : memref<323584xi32, #tpu.memory_space<hbm>> -> memref<128xi32, #tpu.memory_space<hbm>>
        tpu.enqueue_dma source(%dma_start3A_47 : memref<128xi32, #tpu.memory_space<hbm>>) target(%arg6 : memref<128xi32, #tpu.memory_space<vmem>>) target_semaphore(%run_scoped3A : memref<!tpu.dma_semaphore, #tpu.memory_space<semaphore_mem>>)
        %dma_wait3A = tpu.memref_slice %arg2[%mul3A_46] : memref<323584xi32, #tpu.memory_space<hbm>> -> memref<128xi32, #tpu.memory_space<hbm>>
        %dma_wait3A_48 = tpu.memref_slice %arg2[%mul3A_46] : memref<323584xi32, #tpu.memory_space<hbm>> -> memref<128xi32, #tpu.memory_space<hbm>>
        tpu.wait_dma2 semaphore(%run_scoped3A : memref<!tpu.dma_semaphore, #tpu.memory_space<semaphore_mem>>) src(%dma_wait3A_48 : memref<128xi32, #tpu.memory_space<hbm>>) dst(%arg6 : memref<128xi32, #tpu.memory_space<vmem>>)
        tpu.yield
      }) : () -> ()
      "tpu.region"() ({
        %run_scoped3A = tpu.sem_alloc : memref<!tpu.dma_semaphore, #tpu.memory_space<semaphore_mem>>
        %dma_start3A = arith.constant 0 : i32
        %dma_start3A_47 = arith.constant 0 : i32
        %dma_start3A_48 = tpu.memref_slice %arg8[%dma_start3A, %dma_start3A_47] : memref<10240x128xf32, #tpu.memory_space<vmem_shared>> -> memref<10240x128xf32, #tpu.memory_space<vmem_shared>>
        tpu.enqueue_indirect_dma source(%arg7 : memref<128x128xf32, #tpu.memory_space<vmem>>) target(%dma_start3A_48 : memref<10240x128xf32, #tpu.memory_space<vmem_shared>>) offsets(%arg6 : memref<128xi32, #tpu.memory_space<vmem>>) semaphore(%run_scoped3A : memref<!tpu.dma_semaphore, #tpu.memory_space<semaphore_mem>>) {add = true}
        %dma_wait3A = arith.constant 0 : i32
        %dma_wait3A_49 = arith.constant 0 : i32
        %dma_wait3A_50 = tpu.memref_slice %arg8[%dma_wait3A, %dma_wait3A_49] : memref<10240x128xf32, #tpu.memory_space<vmem_shared>> -> memref<10240x128xf32, #tpu.memory_space<vmem_shared>>
        tpu.wait_indirect_dma semaphore(%run_scoped3A : memref<!tpu.dma_semaphore, #tpu.memory_space<semaphore_mem>>) src(%arg7 : memref<128x128xf32, #tpu.memory_space<vmem>>) dst(%dma_wait3A_50 : memref<10240x128xf32, #tpu.memory_space<vmem_shared>>)
        tpu.yield
      }) : () -> ()
    }
    %scan3A_35 = arith.constant 79 : i32
    %barrier3A_36 = arith.constant 0 : index
    tpu.barrier barrier_id(%barrier3A_36)
    %mul3A_37 = arith.constant 640 : i32
    %mul3A_38 = arith.muli %arg1, %mul3A_37 : i32
    %mul3A_39 = arith.constant 640 : i32
    %mul3A_40 = arith.muli %arg1, %mul3A_39 : i32
    "tpu.region"() ({
      %run_scoped3A = tpu.sem_alloc : memref<!tpu.dma_semaphore, #tpu.memory_space<semaphore_mem>>
      %dma_start3A = arith.constant 0 : i32
      %dma_start3A_41 = tpu.memref_slice %arg5[%arg0, %mul3A_40, %dma_start3A] : memref<2x10240x128xf32, #tpu.memory_space<hbm>> -> memref<1x640x128xf32, #tpu.memory_space<hbm>>
      %dma_start3A_42 = tpu.memref_squeeze %dma_start3A_41 : memref<1x640x128xf32, #tpu.memory_space<hbm>> -> memref<640x128xf32, #tpu.memory_space<hbm>>
      %dma_start3A_43 = arith.constant 0 : i32
      %dma_start3A_44 = tpu.memref_slice %arg8[%mul3A_38, %dma_start3A_43] : memref<10240x128xf32, #tpu.memory_space<vmem_shared>> -> memref<640x128xf32, #tpu.memory_space<vmem_shared>>
      tpu.enqueue_dma source(%dma_start3A_44 : memref<640x128xf32, #tpu.memory_space<vmem_shared>>) target(%dma_start3A_42 : memref<640x128xf32, #tpu.memory_space<hbm>>) target_semaphore(%run_scoped3A : memref<!tpu.dma_semaphore, #tpu.memory_space<semaphore_mem>>)
      %dma_wait3A = arith.constant 0 : i32
      %dma_wait3A_45 = tpu.memref_slice %arg5[%arg0, %mul3A_40, %dma_wait3A] : memref<2x10240x128xf32, #tpu.memory_space<hbm>> -> memref<1x640x128xf32, #tpu.memory_space<hbm>>
      %dma_wait3A_46 = tpu.memref_squeeze %dma_wait3A_45 : memref<1x640x128xf32, #tpu.memory_space<hbm>> -> memref<640x128xf32, #tpu.memory_space<hbm>>
      %dma_wait3A_47 = arith.constant 0 : i32
      %dma_wait3A_48 = tpu.memref_slice %arg8[%mul3A_38, %dma_wait3A_47] : memref<10240x128xf32, #tpu.memory_space<vmem_shared>> -> memref<640x128xf32, #tpu.memory_space<vmem_shared>>
      tpu.wait_dma2 semaphore(%run_scoped3A : memref<!tpu.dma_semaphore, #tpu.memory_space<semaphore_mem>>) src(%dma_wait3A_48 : memref<640x128xf32, #tpu.memory_space<vmem_shared>>) dst(%dma_wait3A_46 : memref<640x128xf32, #tpu.memory_space<hbm>>)
      tpu.yield
    }) : () -> ()
    return
  }
}

#map = affine_map<(d0, d1) -> (0)>
#map1 = affine_map<(d0, d1) -> (0, 0)>
#map2 = affine_map<(d0, d1) -> (0, 0, 0)>
module attributes {stable_mosaic.version = 14 : i64} {
  func.func @_edge_body(%arg0: i32, %arg1: i32, %arg2: memref<323584xi32, #tpu.memory_space<hbm>>, %arg3: memref<323584xi32, #tpu.memory_space<hbm>>, %arg4: memref<10000x128xf32, #tpu.memory_space<hbm>>, %arg5: memref<128x128xf32, #tpu.memory_space<hbm>>, %arg6: memref<2x10240x128xf32, #tpu.memory_space<hbm>>, %arg7: memref<128xi32, #tpu.memory_space<vmem>>, %arg8: memref<128xi32, #tpu.memory_space<vmem>>, %arg9: memref<128x128xf32, #tpu.memory_space<vmem>>, %arg10: memref<10240x128xf32, #tpu.memory_space<vmem_shared>>, %arg11: memref<!tpu.dma_semaphore, #tpu.memory_space<semaphore_mem>>) attributes {dimension_semantics = [#tpu.dimension_semantics<core_parallel>, #tpu.dimension_semantics<subcore_parallel>], iteration_bounds = array<i64: 2, 16>, scalar_prefetch = 0 : i64, scratch_operands = 5 : i64, tpu.core_type = #tpu.core_type<sc_vector_subcore>, window_params = [{transform_indices = #map}, {transform_indices = #map}, {transform_indices = #map1}, {transform_indices = #map1}, {transform_indices = #map2}]} {
    "tpu.region"() ({
      %run_scoped3A = tpu.sem_alloc : memref<!tpu.dma_semaphore, #tpu.memory_space<semaphore_mem>>
      tpu.enqueue_dma source(%arg5 : memref<128x128xf32, #tpu.memory_space<hbm>>) target(%arg9 : memref<128x128xf32, #tpu.memory_space<vmem>>) target_semaphore(%run_scoped3A : memref<!tpu.dma_semaphore, #tpu.memory_space<semaphore_mem>>)
      tpu.wait_dma2 semaphore(%run_scoped3A : memref<!tpu.dma_semaphore, #tpu.memory_space<semaphore_mem>>) src(%arg5 : memref<128x128xf32, #tpu.memory_space<hbm>>) dst(%arg9 : memref<128x128xf32, #tpu.memory_space<vmem>>)
      tpu.yield
    }) : () -> ()
    %mul3A = arith.constant 5 : i32
    %mul3A_0 = arith.muli %arg1, %mul3A : i32
    %add3A = arith.constant 0 : i32
    %add3A_1 = arith.addi %mul3A_0, %add3A : i32
    %mul3A_2 = arith.constant 128 : i32
    %mul3A_3 = arith.muli %add3A_1, %mul3A_2 : i32
    "tpu.region"() ({
      %run_scoped3A = tpu.sem_alloc : memref<!tpu.dma_semaphore, #tpu.memory_space<semaphore_mem>>
      %dma_start3A = arith.constant 0 : i32
      %dma_start3A_43 = tpu.memref_slice %arg10[%mul3A_3, %dma_start3A] : memref<10240x128xf32, #tpu.memory_space<vmem_shared>> -> memref<128x128xf32, #tpu.memory_space<vmem_shared>>
      %dma_start3A_44 = arith.constant 0 : i32
      %dma_start3A_45 = tpu.memref_slice %arg10[%mul3A_3, %dma_start3A_44] : memref<10240x128xf32, #tpu.memory_space<vmem_shared>> -> memref<128x128xf32, #tpu.memory_space<vmem_shared>>
      tpu.enqueue_dma source(%arg9 : memref<128x128xf32, #tpu.memory_space<vmem>>) target(%dma_start3A_45 : memref<128x128xf32, #tpu.memory_space<vmem_shared>>) target_semaphore(%run_scoped3A : memref<!tpu.dma_semaphore, #tpu.memory_space<semaphore_mem>>)
      %dma_wait3A = arith.constant 0 : i32
      %dma_wait3A_46 = tpu.memref_slice %arg10[%mul3A_3, %dma_wait3A] : memref<10240x128xf32, #tpu.memory_space<vmem_shared>> -> memref<128x128xf32, #tpu.memory_space<vmem_shared>>
      %dma_wait3A_47 = arith.constant 0 : i32
      %dma_wait3A_48 = tpu.memref_slice %arg10[%mul3A_3, %dma_wait3A_47] : memref<10240x128xf32, #tpu.memory_space<vmem_shared>> -> memref<128x128xf32, #tpu.memory_space<vmem_shared>>
      tpu.wait_dma2 semaphore(%run_scoped3A : memref<!tpu.dma_semaphore, #tpu.memory_space<semaphore_mem>>) src(%arg9 : memref<128x128xf32, #tpu.memory_space<vmem>>) dst(%dma_wait3A_48 : memref<128x128xf32, #tpu.memory_space<vmem_shared>>)
      tpu.yield
    }) : () -> ()
    %mul3A_4 = arith.constant 5 : i32
    %mul3A_5 = arith.muli %arg1, %mul3A_4 : i32
    %add3A_6 = arith.constant 1 : i32
    %add3A_7 = arith.addi %mul3A_5, %add3A_6 : i32
    %mul3A_8 = arith.constant 128 : i32
    %mul3A_9 = arith.muli %add3A_7, %mul3A_8 : i32
    "tpu.region"() ({
      %run_scoped3A = tpu.sem_alloc : memref<!tpu.dma_semaphore, #tpu.memory_space<semaphore_mem>>
      %dma_start3A = arith.constant 0 : i32
      %dma_start3A_43 = tpu.memref_slice %arg10[%mul3A_9, %dma_start3A] : memref<10240x128xf32, #tpu.memory_space<vmem_shared>> -> memref<128x128xf32, #tpu.memory_space<vmem_shared>>
      %dma_start3A_44 = arith.constant 0 : i32
      %dma_start3A_45 = tpu.memref_slice %arg10[%mul3A_9, %dma_start3A_44] : memref<10240x128xf32, #tpu.memory_space<vmem_shared>> -> memref<128x128xf32, #tpu.memory_space<vmem_shared>>
      tpu.enqueue_dma source(%arg9 : memref<128x128xf32, #tpu.memory_space<vmem>>) target(%dma_start3A_45 : memref<128x128xf32, #tpu.memory_space<vmem_shared>>) target_semaphore(%run_scoped3A : memref<!tpu.dma_semaphore, #tpu.memory_space<semaphore_mem>>)
      %dma_wait3A = arith.constant 0 : i32
      %dma_wait3A_46 = tpu.memref_slice %arg10[%mul3A_9, %dma_wait3A] : memref<10240x128xf32, #tpu.memory_space<vmem_shared>> -> memref<128x128xf32, #tpu.memory_space<vmem_shared>>
      %dma_wait3A_47 = arith.constant 0 : i32
      %dma_wait3A_48 = tpu.memref_slice %arg10[%mul3A_9, %dma_wait3A_47] : memref<10240x128xf32, #tpu.memory_space<vmem_shared>> -> memref<128x128xf32, #tpu.memory_space<vmem_shared>>
      tpu.wait_dma2 semaphore(%run_scoped3A : memref<!tpu.dma_semaphore, #tpu.memory_space<semaphore_mem>>) src(%arg9 : memref<128x128xf32, #tpu.memory_space<vmem>>) dst(%dma_wait3A_48 : memref<128x128xf32, #tpu.memory_space<vmem_shared>>)
      tpu.yield
    }) : () -> ()
    %mul3A_10 = arith.constant 5 : i32
    %mul3A_11 = arith.muli %arg1, %mul3A_10 : i32
    %add3A_12 = arith.constant 2 : i32
    %add3A_13 = arith.addi %mul3A_11, %add3A_12 : i32
    %mul3A_14 = arith.constant 128 : i32
    %mul3A_15 = arith.muli %add3A_13, %mul3A_14 : i32
    "tpu.region"() ({
      %run_scoped3A = tpu.sem_alloc : memref<!tpu.dma_semaphore, #tpu.memory_space<semaphore_mem>>
      %dma_start3A = arith.constant 0 : i32
      %dma_start3A_43 = tpu.memref_slice %arg10[%mul3A_15, %dma_start3A] : memref<10240x128xf32, #tpu.memory_space<vmem_shared>> -> memref<128x128xf32, #tpu.memory_space<vmem_shared>>
      %dma_start3A_44 = arith.constant 0 : i32
      %dma_start3A_45 = tpu.memref_slice %arg10[%mul3A_15, %dma_start3A_44] : memref<10240x128xf32, #tpu.memory_space<vmem_shared>> -> memref<128x128xf32, #tpu.memory_space<vmem_shared>>
      tpu.enqueue_dma source(%arg9 : memref<128x128xf32, #tpu.memory_space<vmem>>) target(%dma_start3A_45 : memref<128x128xf32, #tpu.memory_space<vmem_shared>>) target_semaphore(%run_scoped3A : memref<!tpu.dma_semaphore, #tpu.memory_space<semaphore_mem>>)
      %dma_wait3A = arith.constant 0 : i32
      %dma_wait3A_46 = tpu.memref_slice %arg10[%mul3A_15, %dma_wait3A] : memref<10240x128xf32, #tpu.memory_space<vmem_shared>> -> memref<128x128xf32, #tpu.memory_space<vmem_shared>>
      %dma_wait3A_47 = arith.constant 0 : i32
      %dma_wait3A_48 = tpu.memref_slice %arg10[%mul3A_15, %dma_wait3A_47] : memref<10240x128xf32, #tpu.memory_space<vmem_shared>> -> memref<128x128xf32, #tpu.memory_space<vmem_shared>>
      tpu.wait_dma2 semaphore(%run_scoped3A : memref<!tpu.dma_semaphore, #tpu.memory_space<semaphore_mem>>) src(%arg9 : memref<128x128xf32, #tpu.memory_space<vmem>>) dst(%dma_wait3A_48 : memref<128x128xf32, #tpu.memory_space<vmem_shared>>)
      tpu.yield
    }) : () -> ()
    %mul3A_16 = arith.constant 5 : i32
    %mul3A_17 = arith.muli %arg1, %mul3A_16 : i32
    %add3A_18 = arith.constant 3 : i32
    %add3A_19 = arith.addi %mul3A_17, %add3A_18 : i32
    %mul3A_20 = arith.constant 128 : i32
    %mul3A_21 = arith.muli %add3A_19, %mul3A_20 : i32
    "tpu.region"() ({
      %run_scoped3A = tpu.sem_alloc : memref<!tpu.dma_semaphore, #tpu.memory_space<semaphore_mem>>
      %dma_start3A = arith.constant 0 : i32
      %dma_start3A_43 = tpu.memref_slice %arg10[%mul3A_21, %dma_start3A] : memref<10240x128xf32, #tpu.memory_space<vmem_shared>> -> memref<128x128xf32, #tpu.memory_space<vmem_shared>>
      %dma_start3A_44 = arith.constant 0 : i32
      %dma_start3A_45 = tpu.memref_slice %arg10[%mul3A_21, %dma_start3A_44] : memref<10240x128xf32, #tpu.memory_space<vmem_shared>> -> memref<128x128xf32, #tpu.memory_space<vmem_shared>>
      tpu.enqueue_dma source(%arg9 : memref<128x128xf32, #tpu.memory_space<vmem>>) target(%dma_start3A_45 : memref<128x128xf32, #tpu.memory_space<vmem_shared>>) target_semaphore(%run_scoped3A : memref<!tpu.dma_semaphore, #tpu.memory_space<semaphore_mem>>)
      %dma_wait3A = arith.constant 0 : i32
      %dma_wait3A_46 = tpu.memref_slice %arg10[%mul3A_21, %dma_wait3A] : memref<10240x128xf32, #tpu.memory_space<vmem_shared>> -> memref<128x128xf32, #tpu.memory_space<vmem_shared>>
      %dma_wait3A_47 = arith.constant 0 : i32
      %dma_wait3A_48 = tpu.memref_slice %arg10[%mul3A_21, %dma_wait3A_47] : memref<10240x128xf32, #tpu.memory_space<vmem_shared>> -> memref<128x128xf32, #tpu.memory_space<vmem_shared>>
      tpu.wait_dma2 semaphore(%run_scoped3A : memref<!tpu.dma_semaphore, #tpu.memory_space<semaphore_mem>>) src(%arg9 : memref<128x128xf32, #tpu.memory_space<vmem>>) dst(%dma_wait3A_48 : memref<128x128xf32, #tpu.memory_space<vmem_shared>>)
      tpu.yield
    }) : () -> ()
    %mul3A_22 = arith.constant 5 : i32
    %mul3A_23 = arith.muli %arg1, %mul3A_22 : i32
    %add3A_24 = arith.constant 4 : i32
    %add3A_25 = arith.addi %mul3A_23, %add3A_24 : i32
    %mul3A_26 = arith.constant 128 : i32
    %mul3A_27 = arith.muli %add3A_25, %mul3A_26 : i32
    "tpu.region"() ({
      %run_scoped3A = tpu.sem_alloc : memref<!tpu.dma_semaphore, #tpu.memory_space<semaphore_mem>>
      %dma_start3A = arith.constant 0 : i32
      %dma_start3A_43 = tpu.memref_slice %arg10[%mul3A_27, %dma_start3A] : memref<10240x128xf32, #tpu.memory_space<vmem_shared>> -> memref<128x128xf32, #tpu.memory_space<vmem_shared>>
      %dma_start3A_44 = arith.constant 0 : i32
      %dma_start3A_45 = tpu.memref_slice %arg10[%mul3A_27, %dma_start3A_44] : memref<10240x128xf32, #tpu.memory_space<vmem_shared>> -> memref<128x128xf32, #tpu.memory_space<vmem_shared>>
      tpu.enqueue_dma source(%arg9 : memref<128x128xf32, #tpu.memory_space<vmem>>) target(%dma_start3A_45 : memref<128x128xf32, #tpu.memory_space<vmem_shared>>) target_semaphore(%run_scoped3A : memref<!tpu.dma_semaphore, #tpu.memory_space<semaphore_mem>>)
      %dma_wait3A = arith.constant 0 : i32
      %dma_wait3A_46 = tpu.memref_slice %arg10[%mul3A_27, %dma_wait3A] : memref<10240x128xf32, #tpu.memory_space<vmem_shared>> -> memref<128x128xf32, #tpu.memory_space<vmem_shared>>
      %dma_wait3A_47 = arith.constant 0 : i32
      %dma_wait3A_48 = tpu.memref_slice %arg10[%mul3A_27, %dma_wait3A_47] : memref<10240x128xf32, #tpu.memory_space<vmem_shared>> -> memref<128x128xf32, #tpu.memory_space<vmem_shared>>
      tpu.wait_dma2 semaphore(%run_scoped3A : memref<!tpu.dma_semaphore, #tpu.memory_space<semaphore_mem>>) src(%arg9 : memref<128x128xf32, #tpu.memory_space<vmem>>) dst(%dma_wait3A_48 : memref<128x128xf32, #tpu.memory_space<vmem_shared>>)
      tpu.yield
    }) : () -> ()
    %barrier3A = arith.constant 0 : index
    tpu.barrier barrier_id(%barrier3A)
    %mul3A_28 = arith.constant 2 : i32
    %mul3A_29 = arith.muli %arg1, %mul3A_28 : i32
    %add3A_30 = arith.addi %mul3A_29, %arg0 : i32
    %mul3A_31 = arith.constant 79 : i32
    %mul3A_32 = arith.muli %add3A_30, %mul3A_31 : i32
    %scan3A = arith.constant 0 : i32
    %scan3A_33 = arith.constant 0 : i32
    %scan3A_34 = arith.constant 79 : i32
    %scan3A_35 = arith.addi %scan3A_33, %scan3A_34 : i32
    %scan3A_36 = arith.constant 1 : i32
    scf.for %scan3A_43 = %scan3A_33 to %scan3A_35 step %scan3A_36  : i32 {
      %add3A_44 = arith.addi %mul3A_32, %scan3A_43 : i32
      %mul3A_45 = arith.constant 128 : i32
      %mul3A_46 = arith.muli %add3A_44, %mul3A_45 : i32
      "tpu.region"() ({
        %run_scoped3A = tpu.sem_alloc : memref<!tpu.dma_semaphore, #tpu.memory_space<semaphore_mem>>
        %dma_start3A_51 = tpu.memref_slice %arg2[%mul3A_46] : memref<323584xi32, #tpu.memory_space<hbm>> -> memref<128xi32, #tpu.memory_space<hbm>>
        %dma_start3A_52 = tpu.memref_slice %arg2[%mul3A_46] : memref<323584xi32, #tpu.memory_space<hbm>> -> memref<128xi32, #tpu.memory_space<hbm>>
        tpu.enqueue_dma source(%dma_start3A_52 : memref<128xi32, #tpu.memory_space<hbm>>) target(%arg7 : memref<128xi32, #tpu.memory_space<vmem>>) target_semaphore(%run_scoped3A : memref<!tpu.dma_semaphore, #tpu.memory_space<semaphore_mem>>)
        %dma_wait3A_53 = tpu.memref_slice %arg2[%mul3A_46] : memref<323584xi32, #tpu.memory_space<hbm>> -> memref<128xi32, #tpu.memory_space<hbm>>
        %dma_wait3A_54 = tpu.memref_slice %arg2[%mul3A_46] : memref<323584xi32, #tpu.memory_space<hbm>> -> memref<128xi32, #tpu.memory_space<hbm>>
        tpu.wait_dma2 semaphore(%run_scoped3A : memref<!tpu.dma_semaphore, #tpu.memory_space<semaphore_mem>>) src(%dma_wait3A_54 : memref<128xi32, #tpu.memory_space<hbm>>) dst(%arg7 : memref<128xi32, #tpu.memory_space<vmem>>)
        tpu.yield
      }) : () -> ()
      "tpu.region"() ({
        %run_scoped3A = tpu.sem_alloc : memref<!tpu.dma_semaphore, #tpu.memory_space<semaphore_mem>>
        %dma_start3A_51 = tpu.memref_slice %arg3[%mul3A_46] : memref<323584xi32, #tpu.memory_space<hbm>> -> memref<128xi32, #tpu.memory_space<hbm>>
        %dma_start3A_52 = tpu.memref_slice %arg3[%mul3A_46] : memref<323584xi32, #tpu.memory_space<hbm>> -> memref<128xi32, #tpu.memory_space<hbm>>
        tpu.enqueue_dma source(%dma_start3A_52 : memref<128xi32, #tpu.memory_space<hbm>>) target(%arg8 : memref<128xi32, #tpu.memory_space<vmem>>) target_semaphore(%run_scoped3A : memref<!tpu.dma_semaphore, #tpu.memory_space<semaphore_mem>>)
        %dma_wait3A_53 = tpu.memref_slice %arg3[%mul3A_46] : memref<323584xi32, #tpu.memory_space<hbm>> -> memref<128xi32, #tpu.memory_space<hbm>>
        %dma_wait3A_54 = tpu.memref_slice %arg3[%mul3A_46] : memref<323584xi32, #tpu.memory_space<hbm>> -> memref<128xi32, #tpu.memory_space<hbm>>
        tpu.wait_dma2 semaphore(%run_scoped3A : memref<!tpu.dma_semaphore, #tpu.memory_space<semaphore_mem>>) src(%dma_wait3A_54 : memref<128xi32, #tpu.memory_space<hbm>>) dst(%arg8 : memref<128xi32, #tpu.memory_space<vmem>>)
        tpu.yield
      }) : () -> ()
      %dma_start3A = arith.constant 0 : i32
      %dma_start3A_47 = arith.constant 0 : i32
      %dma_start3A_48 = tpu.memref_slice %arg4[%dma_start3A, %dma_start3A_47] : memref<10000x128xf32, #tpu.memory_space<hbm>> -> memref<10000x128xf32, #tpu.memory_space<hbm>>
      tpu.enqueue_indirect_dma source(%dma_start3A_48 : memref<10000x128xf32, #tpu.memory_space<hbm>>) target(%arg9 : memref<128x128xf32, #tpu.memory_space<vmem>>) offsets(%arg7 : memref<128xi32, #tpu.memory_space<vmem>>) semaphore(%arg11 : memref<!tpu.dma_semaphore, #tpu.memory_space<semaphore_mem>>)
      %dma_wait3A = arith.constant 0 : i32
      %dma_wait3A_49 = arith.constant 0 : i32
      %dma_wait3A_50 = tpu.memref_slice %arg4[%dma_wait3A, %dma_wait3A_49] : memref<10000x128xf32, #tpu.memory_space<hbm>> -> memref<10000x128xf32, #tpu.memory_space<hbm>>
      tpu.wait_indirect_dma semaphore(%arg11 : memref<!tpu.dma_semaphore, #tpu.memory_space<semaphore_mem>>) src(%dma_wait3A_50 : memref<10000x128xf32, #tpu.memory_space<hbm>>) dst(%arg9 : memref<128x128xf32, #tpu.memory_space<vmem>>)
      "tpu.region"() ({
        %run_scoped3A = tpu.sem_alloc : memref<!tpu.dma_semaphore, #tpu.memory_space<semaphore_mem>>
        %dma_start3A_51 = arith.constant 0 : i32
        %dma_start3A_52 = arith.constant 0 : i32
        %dma_start3A_53 = tpu.memref_slice %arg10[%dma_start3A_51, %dma_start3A_52] : memref<10240x128xf32, #tpu.memory_space<vmem_shared>> -> memref<10240x128xf32, #tpu.memory_space<vmem_shared>>
        tpu.enqueue_indirect_dma source(%arg9 : memref<128x128xf32, #tpu.memory_space<vmem>>) target(%dma_start3A_53 : memref<10240x128xf32, #tpu.memory_space<vmem_shared>>) offsets(%arg8 : memref<128xi32, #tpu.memory_space<vmem>>) semaphore(%run_scoped3A : memref<!tpu.dma_semaphore, #tpu.memory_space<semaphore_mem>>) {add = true}
        %dma_wait3A_54 = arith.constant 0 : i32
        %dma_wait3A_55 = arith.constant 0 : i32
        %dma_wait3A_56 = tpu.memref_slice %arg10[%dma_wait3A_54, %dma_wait3A_55] : memref<10240x128xf32, #tpu.memory_space<vmem_shared>> -> memref<10240x128xf32, #tpu.memory_space<vmem_shared>>
        tpu.wait_indirect_dma semaphore(%run_scoped3A : memref<!tpu.dma_semaphore, #tpu.memory_space<semaphore_mem>>) src(%arg9 : memref<128x128xf32, #tpu.memory_space<vmem>>) dst(%dma_wait3A_56 : memref<10240x128xf32, #tpu.memory_space<vmem_shared>>)
        tpu.yield
      }) : () -> ()
    }
    %scan3A_37 = arith.constant 79 : i32
    %barrier3A_38 = arith.constant 0 : index
    tpu.barrier barrier_id(%barrier3A_38)
    %mul3A_39 = arith.constant 640 : i32
    %mul3A_40 = arith.muli %arg1, %mul3A_39 : i32
    %mul3A_41 = arith.constant 640 : i32
    %mul3A_42 = arith.muli %arg1, %mul3A_41 : i32
    "tpu.region"() ({
      %run_scoped3A = tpu.sem_alloc : memref<!tpu.dma_semaphore, #tpu.memory_space<semaphore_mem>>
      %dma_start3A = arith.constant 0 : i32
      %dma_start3A_43 = tpu.memref_slice %arg6[%arg0, %mul3A_42, %dma_start3A] : memref<2x10240x128xf32, #tpu.memory_space<hbm>> -> memref<1x640x128xf32, #tpu.memory_space<hbm>>
      %dma_start3A_44 = tpu.memref_squeeze %dma_start3A_43 : memref<1x640x128xf32, #tpu.memory_space<hbm>> -> memref<640x128xf32, #tpu.memory_space<hbm>>
      %dma_start3A_45 = arith.constant 0 : i32
      %dma_start3A_46 = tpu.memref_slice %arg10[%mul3A_40, %dma_start3A_45] : memref<10240x128xf32, #tpu.memory_space<vmem_shared>> -> memref<640x128xf32, #tpu.memory_space<vmem_shared>>
      tpu.enqueue_dma source(%dma_start3A_46 : memref<640x128xf32, #tpu.memory_space<vmem_shared>>) target(%dma_start3A_44 : memref<640x128xf32, #tpu.memory_space<hbm>>) target_semaphore(%run_scoped3A : memref<!tpu.dma_semaphore, #tpu.memory_space<semaphore_mem>>)
      %dma_wait3A = arith.constant 0 : i32
      %dma_wait3A_47 = tpu.memref_slice %arg6[%arg0, %mul3A_42, %dma_wait3A] : memref<2x10240x128xf32, #tpu.memory_space<hbm>> -> memref<1x640x128xf32, #tpu.memory_space<hbm>>
      %dma_wait3A_48 = tpu.memref_squeeze %dma_wait3A_47 : memref<1x640x128xf32, #tpu.memory_space<hbm>> -> memref<640x128xf32, #tpu.memory_space<hbm>>
      %dma_wait3A_49 = arith.constant 0 : i32
      %dma_wait3A_50 = tpu.memref_slice %arg10[%mul3A_40, %dma_wait3A_49] : memref<10240x128xf32, #tpu.memory_space<vmem_shared>> -> memref<640x128xf32, #tpu.memory_space<vmem_shared>>
      tpu.wait_dma2 semaphore(%run_scoped3A : memref<!tpu.dma_semaphore, #tpu.memory_space<semaphore_mem>>) src(%dma_wait3A_50 : memref<640x128xf32, #tpu.memory_space<vmem_shared>>) dst(%dma_wait3A_48 : memref<640x128xf32, #tpu.memory_space<hbm>>)
      tpu.yield
    }) : () -> ()
    return
  }
}

module attributes {stable_mosaic.version = 14 : i64} {
  func.func @_first_body(%arg0: i32, %arg1: memref<1000x128xf32, #tpu.memory_space<vmem>>, %arg2: memref<128x64xf32, #tpu.memory_space<vmem>>, %arg3: memref<1000x2xf32, #tpu.memory_space<vmem>>, %arg4: memref<1000x128xf32, #tpu.memory_space<vmem>>) attributes {dimension_semantics = [#tpu.dimension_semantics<arbitrary>], iteration_bounds = array<i64: 10>, scalar_prefetch = 0 : i64, scratch_operands = 0 : i64, tpu.core_type = #tpu.core_type<tc>, window_params = [{transform_indices = @transform_0, window_bounds = array<i64: 1000, 128>}, {pipeline_mode = #tpu.pipeline_mode<synchronous>, transform_indices = @transform_1, window_bounds = array<i64: 128, 64>}, {transform_indices = @transform_2, window_bounds = array<i64: 1000, 2>}, {transform_indices = @transform_3, window_bounds = array<i64: 1000, 128>}]} {
    %get3A = arith.constant 0 : index
    %get3A_0 = arith.constant 0 : index
    %get3A_1 = vector.load %arg3[%get3A, %get3A_0] : memref<1000x2xf32, #tpu.memory_space<vmem>>, vector<1000x2xf32>
    %reduce_sum3A = arith.constant dense<0.000000e+00> : vector<1000xf32>
    %reduce_sum3A_2 = vector.multi_reduction <add>, %get3A_1, %reduce_sum3A [1] : vector<1000x2xf32> to vector<1000xf32>
    %broadcast_in_dim3A = vector.shape_cast %reduce_sum3A_2 : vector<1000xf32> to vector<1000x1xf32>
    %add3A = arith.constant 1.000000e+00 : f32
    %add3A_3 = vector.broadcast %add3A : f32 to vector<1000x1xf32>
    %add3A_4 = arith.addf %broadcast_in_dim3A, %add3A_3 : vector<1000x1xf32>
    %rsqrt3A = math.rsqrt %add3A_4 : vector<1000x1xf32>
    %get3A_5 = arith.constant 0 : index
    %get3A_6 = arith.constant 0 : index
    %get3A_7 = vector.load %arg1[%get3A_5, %get3A_6] : memref<1000x128xf32, #tpu.memory_space<vmem>>, vector<1000x128xf32>
    %get3A_8 = arith.constant 0 : index
    %get3A_9 = arith.constant 0 : index
    %get3A_10 = vector.load %arg2[%get3A_8, %get3A_9] : memref<128x64xf32, #tpu.memory_space<vmem>>, vector<128x64xf32>
    %dot_general3A = arith.constant dense<0.000000e+00> : vector<1000x64xf32>
    %dot_general3A_11 = tpu.matmul %get3A_7, %get3A_10, %dot_general3A {dimension_numbers = #tpu.dot_dimension_numbers<[1], [0], [0], [1], [0, 0, 1, 1], [], []>, transpose_lhs_hint = false} : vector<1000x128xf32>, vector<128x64xf32>, vector<1000x64xf32> -> vector<1000x64xf32>
    %mul3A = vector.broadcast %rsqrt3A : vector<1000x1xf32> to vector<1000x64xf32>
    %mul3A_12 = arith.mulf %mul3A, %dot_general3A_11 : vector<1000x64xf32>
    %broadcast_in_dim3A_13 = arith.constant 0.000000e+00 : f32
    %broadcast_in_dim3A_14 = vector.broadcast %broadcast_in_dim3A_13 : f32 to vector<1000x64xf32>
    %concatenate3A = tpu.concatenate %mul3A_12, %broadcast_in_dim3A_14 in 1 : vector<1000x64xf32>, vector<1000x64xf32> -> vector<1000x128xf32>
    %swap3A = arith.constant 0 : index
    %swap3A_15 = arith.constant 0 : index
    %swap3A_16 = vector.load %arg4[%swap3A, %swap3A_15] : memref<1000x128xf32, #tpu.memory_space<vmem>>, vector<1000x128xf32>
    tpu.vector_store %arg4[%swap3A, %swap3A_15], %concatenate3A {strides = array<i32>} : memref<1000x128xf32, #tpu.memory_space<vmem>>, vector<1000x128xf32>,
    return
  }
  func.func @transform_0(%arg0: i32) -> (i32, i32) {
    %c0_i32 = arith.constant 0 : i32
    %c0_i32_0 = arith.constant 0 : i32
    return %arg0, %c0_i32 : i32, i32
  }
  func.func @transform_1(%arg0: i32) -> (i32, i32) {
    %c0_i32 = arith.constant 0 : i32
    %c0_i32_0 = arith.constant 0 : i32
    %c0_i32_1 = arith.constant 0 : i32
    return %c0_i32, %c0_i32_0 : i32, i32
  }
  func.func @transform_2(%arg0: i32) -> (i32, i32) {
    %c0_i32 = arith.constant 0 : i32
    %c0_i32_0 = arith.constant 0 : i32
    return %arg0, %c0_i32 : i32, i32
  }
  func.func @transform_3(%arg0: i32) -> (i32, i32) {
    %c0_i32 = arith.constant 0 : i32
    %c0_i32_0 = arith.constant 0 : i32
    return %arg0, %c0_i32 : i32, i32
  }
}

module attributes {stable_mosaic.version = 14 : i64} {
  func.func @_mid_body(%arg0: i32, %arg1: memref<2x1000x128xf32, #tpu.memory_space<vmem>>, %arg2: memref<1000x128xf32, #tpu.memory_space<vmem>>, %arg3: memref<1000x2xf32, #tpu.memory_space<vmem>>, %arg4: memref<1x64xf32, #tpu.memory_space<vmem>>, %arg5: memref<64x64xf32, #tpu.memory_space<vmem>>, %arg6: memref<1000x128xf32, #tpu.memory_space<vmem>>) attributes {dimension_semantics = [#tpu.dimension_semantics<arbitrary>], iteration_bounds = array<i64: 10>, scalar_prefetch = 0 : i64, scratch_operands = 0 : i64, tpu.core_type = #tpu.core_type<tc>, window_params = [{transform_indices = @transform_0, window_bounds = array<i64: 2, 1000, 128>}, {transform_indices = @transform_1, window_bounds = array<i64: 1000, 128>}, {transform_indices = @transform_2, window_bounds = array<i64: 1000, 2>}, {pipeline_mode = #tpu.pipeline_mode<synchronous>, transform_indices = @transform_3, window_bounds = array<i64: 1, 64>}, {pipeline_mode = #tpu.pipeline_mode<synchronous>, transform_indices = @transform_4, window_bounds = array<i64: 64, 64>}, {transform_indices = @transform_5, window_bounds = array<i64: 1000, 128>}]} {
    %get3A = arith.constant 0 : index
    %get3A_0 = arith.constant 0 : index
    %get3A_1 = vector.load %arg3[%get3A, %get3A_0] : memref<1000x2xf32, #tpu.memory_space<vmem>>, vector<1000x2xf32>
    %reduce_sum3A = arith.constant dense<0.000000e+00> : vector<1000xf32>
    %reduce_sum3A_2 = vector.multi_reduction <add>, %get3A_1, %reduce_sum3A [1] : vector<1000x2xf32> to vector<1000xf32>
    %broadcast_in_dim3A = vector.shape_cast %reduce_sum3A_2 : vector<1000xf32> to vector<1000x1xf32>
    %add3A = arith.constant 1.000000e+00 : f32
    %add3A_3 = vector.broadcast %add3A : f32 to vector<1000x1xf32>
    %add3A_4 = arith.addf %broadcast_in_dim3A, %add3A_3 : vector<1000x1xf32>
    %rsqrt3A = math.rsqrt %add3A_4 : vector<1000x1xf32>
    %get3A_5 = arith.constant 0 : index
    %get3A_6 = arith.constant 0 : index
    %get3A_7 = arith.constant 0 : index
    %get3A_8 = vector.load %arg1[%get3A_5, %get3A_6, %get3A_7] : memref<2x1000x128xf32, #tpu.memory_space<vmem>>, vector<1x1000x128xf32>
    %get3A_9 = vector.shape_cast %get3A_8 : vector<1x1000x128xf32> to vector<1000x128xf32>
    %get3A_10 = arith.constant 1 : index
    %get3A_11 = arith.constant 0 : index
    %get3A_12 = arith.constant 0 : index
    %get3A_13 = vector.load %arg1[%get3A_10, %get3A_11, %get3A_12] : memref<2x1000x128xf32, #tpu.memory_space<vmem>>, vector<1x1000x128xf32>
    %get3A_14 = vector.shape_cast %get3A_13 : vector<1x1000x128xf32> to vector<1000x128xf32>
    %add3A_15 = arith.addf %get3A_9, %get3A_14 : vector<1000x128xf32>
    %get3A_16 = arith.constant 0 : index
    %get3A_17 = arith.constant 0 : index
    %get3A_18 = vector.load %arg2[%get3A_16, %get3A_17] : memref<1000x128xf32, #tpu.memory_space<vmem>>, vector<1000x128xf32>
    %add3A_19 = arith.addf %add3A_15, %get3A_18 : vector<1000x128xf32>
    %slice3A = vector.extract_strided_slice %add3A_19 {offsets = [0, 0], sizes = [1000, 64], strides = [1, 1]} : vector<1000x128xf32> to vector<1000x64xf32>
    %mul3A = vector.broadcast %rsqrt3A : vector<1000x1xf32> to vector<1000x64xf32>
    %mul3A_20 = arith.mulf %mul3A, %slice3A : vector<1000x64xf32>
    %get3A_21 = arith.constant 0 : index
    %get3A_22 = arith.constant 0 : index
    %get3A_23 = vector.load %arg4[%get3A_21, %get3A_22] : memref<1x64xf32, #tpu.memory_space<vmem>>, vector<1x64xf32>
    %add3A_24 = vector.broadcast %get3A_23 : vector<1x64xf32> to vector<1000x64xf32>
    %add3A_25 = arith.addf %mul3A_20, %add3A_24 : vector<1000x64xf32>
    %max3A = arith.constant 0.000000e+00 : f32
    %max3A_26 = vector.broadcast %max3A : f32 to vector<1000x64xf32>
    %max3A_27 = arith.maximumf %add3A_25, %max3A_26 : vector<1000x64xf32>
    %get3A_28 = arith.constant 0 : index
    %get3A_29 = arith.constant 0 : index
    %get3A_30 = vector.load %arg5[%get3A_28, %get3A_29] : memref<64x64xf32, #tpu.memory_space<vmem>>, vector<64x64xf32>
    %dot_general3A = arith.constant dense<0.000000e+00> : vector<1000x64xf32>
    %dot_general3A_31 = tpu.matmul %max3A_27, %get3A_30, %dot_general3A {dimension_numbers = #tpu.dot_dimension_numbers<[1], [0], [0], [1], [0, 0, 1, 1], [], []>, transpose_lhs_hint = false} : vector<1000x64xf32>, vector<64x64xf32>, vector<1000x64xf32> -> vector<1000x64xf32>
    %mul3A_32 = vector.broadcast %rsqrt3A : vector<1000x1xf32> to vector<1000x64xf32>
    %mul3A_33 = arith.mulf %mul3A_32, %dot_general3A_31 : vector<1000x64xf32>
    %broadcast_in_dim3A_34 = arith.constant 0.000000e+00 : f32
    %broadcast_in_dim3A_35 = vector.broadcast %broadcast_in_dim3A_34 : f32 to vector<1000x64xf32>
    %concatenate3A = tpu.concatenate %mul3A_33, %broadcast_in_dim3A_35 in 1 : vector<1000x64xf32>, vector<1000x64xf32> -> vector<1000x128xf32>
    %swap3A = arith.constant 0 : index
    %swap3A_36 = arith.constant 0 : index
    %swap3A_37 = vector.load %arg6[%swap3A, %swap3A_36] : memref<1000x128xf32, #tpu.memory_space<vmem>>, vector<1000x128xf32>
    tpu.vector_store %arg6[%swap3A, %swap3A_36], %concatenate3A {strides = array<i32>} : memref<1000x128xf32, #tpu.memory_space<vmem>>, vector<1000x128xf32>,
    return
  }
  func.func @transform_0(%arg0: i32) -> (i32, i32, i32) {
    %c0_i32 = arith.constant 0 : i32
    %c0_i32_0 = arith.constant 0 : i32
    %c0_i32_1 = arith.constant 0 : i32
    return %c0_i32, %arg0, %c0_i32_0 : i32, i32, i32
  }
  func.func @transform_1(%arg0: i32) -> (i32, i32) {
    %c0_i32 = arith.constant 0 : i32
    %c0_i32_0 = arith.constant 0 : i32
    return %arg0, %c0_i32 : i32, i32
  }
  func.func @transform_2(%arg0: i32) -> (i32, i32) {
    %c0_i32 = arith.constant 0 : i32
    %c0_i32_0 = arith.constant 0 : i32
    return %arg0, %c0_i32 : i32, i32
  }
  func.func @transform_3(%arg0: i32) -> (i32, i32) {
    %c0_i32 = arith.constant 0 : i32
    %c0_i32_0 = arith.constant 0 : i32
    %c0_i32_1 = arith.constant 0 : i32
    return %c0_i32, %c0_i32_0 : i32, i32
  }
  func.func @transform_4(%arg0: i32) -> (i32, i32) {
    %c0_i32 = arith.constant 0 : i32
    %c0_i32_0 = arith.constant 0 : i32
    %c0_i32_1 = arith.constant 0 : i32
    return %c0_i32, %c0_i32_0 : i32, i32
  }
  func.func @transform_5(%arg0: i32) -> (i32, i32) {
    %c0_i32 = arith.constant 0 : i32
    %c0_i32_0 = arith.constant 0 : i32
    return %arg0, %c0_i32 : i32, i32
  }
}

module attributes {stable_mosaic.version = 14 : i64} {
  func.func @_preagg_body(%arg0: i32, %arg1: memref<2x1000x128xf32, #tpu.memory_space<vmem>>, %arg2: memref<1000x128xf32, #tpu.memory_space<vmem>>, %arg3: memref<1000x2xf32, #tpu.memory_space<vmem>>, %arg4: memref<1x64xf32, #tpu.memory_space<vmem>>, %arg5: memref<1000x128xf32, #tpu.memory_space<vmem>>) attributes {dimension_semantics = [#tpu.dimension_semantics<arbitrary>], iteration_bounds = array<i64: 10>, scalar_prefetch = 0 : i64, scratch_operands = 0 : i64, tpu.core_type = #tpu.core_type<tc>, window_params = [{transform_indices = @transform_0, window_bounds = array<i64: 2, 1000, 128>}, {transform_indices = @transform_1, window_bounds = array<i64: 1000, 128>}, {transform_indices = @transform_2, window_bounds = array<i64: 1000, 2>}, {pipeline_mode = #tpu.pipeline_mode<synchronous>, transform_indices = @transform_3, window_bounds = array<i64: 1, 64>}, {transform_indices = @transform_4, window_bounds = array<i64: 1000, 128>}]} {
    %get3A = arith.constant 0 : index
    %get3A_0 = arith.constant 0 : index
    %get3A_1 = vector.load %arg3[%get3A, %get3A_0] : memref<1000x2xf32, #tpu.memory_space<vmem>>, vector<1000x2xf32>
    %reduce_sum3A = arith.constant dense<0.000000e+00> : vector<1000xf32>
    %reduce_sum3A_2 = vector.multi_reduction <add>, %get3A_1, %reduce_sum3A [1] : vector<1000x2xf32> to vector<1000xf32>
    %broadcast_in_dim3A = vector.shape_cast %reduce_sum3A_2 : vector<1000xf32> to vector<1000x1xf32>
    %add3A = arith.constant 1.000000e+00 : f32
    %add3A_3 = vector.broadcast %add3A : f32 to vector<1000x1xf32>
    %add3A_4 = arith.addf %broadcast_in_dim3A, %add3A_3 : vector<1000x1xf32>
    %rsqrt3A = math.rsqrt %add3A_4 : vector<1000x1xf32>
    %get3A_5 = arith.constant 0 : index
    %get3A_6 = arith.constant 0 : index
    %get3A_7 = arith.constant 0 : index
    %get3A_8 = vector.load %arg1[%get3A_5, %get3A_6, %get3A_7] : memref<2x1000x128xf32, #tpu.memory_space<vmem>>, vector<1x1000x128xf32>
    %get3A_9 = vector.shape_cast %get3A_8 : vector<1x1000x128xf32> to vector<1000x128xf32>
    %get3A_10 = arith.constant 1 : index
    %get3A_11 = arith.constant 0 : index
    %get3A_12 = arith.constant 0 : index
    %get3A_13 = vector.load %arg1[%get3A_10, %get3A_11, %get3A_12] : memref<2x1000x128xf32, #tpu.memory_space<vmem>>, vector<1x1000x128xf32>
    %get3A_14 = vector.shape_cast %get3A_13 : vector<1x1000x128xf32> to vector<1000x128xf32>
    %add3A_15 = arith.addf %get3A_9, %get3A_14 : vector<1000x128xf32>
    %get3A_16 = arith.constant 0 : index
    %get3A_17 = arith.constant 0 : index
    %get3A_18 = vector.load %arg2[%get3A_16, %get3A_17] : memref<1000x128xf32, #tpu.memory_space<vmem>>, vector<1000x128xf32>
    %add3A_19 = arith.addf %add3A_15, %get3A_18 : vector<1000x128xf32>
    %slice3A = vector.extract_strided_slice %add3A_19 {offsets = [0, 0], sizes = [1000, 64], strides = [1, 1]} : vector<1000x128xf32> to vector<1000x64xf32>
    %mul3A = vector.broadcast %rsqrt3A : vector<1000x1xf32> to vector<1000x64xf32>
    %mul3A_20 = arith.mulf %mul3A, %slice3A : vector<1000x64xf32>
    %get3A_21 = arith.constant 0 : index
    %get3A_22 = arith.constant 0 : index
    %get3A_23 = vector.load %arg4[%get3A_21, %get3A_22] : memref<1x64xf32, #tpu.memory_space<vmem>>, vector<1x64xf32>
    %add3A_24 = vector.broadcast %get3A_23 : vector<1x64xf32> to vector<1000x64xf32>
    %add3A_25 = arith.addf %mul3A_20, %add3A_24 : vector<1000x64xf32>
    %max3A = arith.constant 0.000000e+00 : f32
    %max3A_26 = vector.broadcast %max3A : f32 to vector<1000x64xf32>
    %max3A_27 = arith.maximumf %add3A_25, %max3A_26 : vector<1000x64xf32>
    %mul3A_28 = vector.broadcast %rsqrt3A : vector<1000x1xf32> to vector<1000x64xf32>
    %mul3A_29 = arith.mulf %mul3A_28, %max3A_27 : vector<1000x64xf32>
    %broadcast_in_dim3A_30 = arith.constant 0.000000e+00 : f32
    %broadcast_in_dim3A_31 = vector.broadcast %broadcast_in_dim3A_30 : f32 to vector<1000x64xf32>
    %concatenate3A = tpu.concatenate %mul3A_29, %broadcast_in_dim3A_31 in 1 : vector<1000x64xf32>, vector<1000x64xf32> -> vector<1000x128xf32>
    %swap3A = arith.constant 0 : index
    %swap3A_32 = arith.constant 0 : index
    %swap3A_33 = vector.load %arg5[%swap3A, %swap3A_32] : memref<1000x128xf32, #tpu.memory_space<vmem>>, vector<1000x128xf32>
    tpu.vector_store %arg5[%swap3A, %swap3A_32], %concatenate3A {strides = array<i32>} : memref<1000x128xf32, #tpu.memory_space<vmem>>, vector<1000x128xf32>,
    return
  }
  func.func @transform_0(%arg0: i32) -> (i32, i32, i32) {
    %c0_i32 = arith.constant 0 : i32
    %c0_i32_0 = arith.constant 0 : i32
    %c0_i32_1 = arith.constant 0 : i32
    return %c0_i32, %arg0, %c0_i32_0 : i32, i32, i32
  }
  func.func @transform_1(%arg0: i32) -> (i32, i32) {
    %c0_i32 = arith.constant 0 : i32
    %c0_i32_0 = arith.constant 0 : i32
    return %arg0, %c0_i32 : i32, i32
  }
  func.func @transform_2(%arg0: i32) -> (i32, i32) {
    %c0_i32 = arith.constant 0 : i32
    %c0_i32_0 = arith.constant 0 : i32
    return %arg0, %c0_i32 : i32, i32
  }
  func.func @transform_3(%arg0: i32) -> (i32, i32) {
    %c0_i32 = arith.constant 0 : i32
    %c0_i32_0 = arith.constant 0 : i32
    %c0_i32_1 = arith.constant 0 : i32
    return %c0_i32, %c0_i32_0 : i32, i32
  }
  func.func @transform_4(%arg0: i32) -> (i32, i32) {
    %c0_i32 = arith.constant 0 : i32
    %c0_i32_0 = arith.constant 0 : i32
    return %arg0, %c0_i32 : i32, i32
  }
}

module attributes {stable_mosaic.version = 14 : i64} {
  func.func @_last_body(%arg0: i32, %arg1: memref<2x1000x128xf32, #tpu.memory_space<vmem>>, %arg2: memref<1000x128xf32, #tpu.memory_space<vmem>>, %arg3: memref<1000x2xf32, #tpu.memory_space<vmem>>, %arg4: memref<64x128xf32, #tpu.memory_space<vmem>>, %arg5: memref<1x128xf32, #tpu.memory_space<vmem>>, %arg6: memref<1000x128xf32, #tpu.memory_space<vmem>>) attributes {dimension_semantics = [#tpu.dimension_semantics<arbitrary>], iteration_bounds = array<i64: 10>, scalar_prefetch = 0 : i64, scratch_operands = 0 : i64, tpu.core_type = #tpu.core_type<tc>, window_params = [{transform_indices = @transform_0, window_bounds = array<i64: 2, 1000, 128>}, {transform_indices = @transform_1, window_bounds = array<i64: 1000, 128>}, {transform_indices = @transform_2, window_bounds = array<i64: 1000, 2>}, {pipeline_mode = #tpu.pipeline_mode<synchronous>, transform_indices = @transform_3, window_bounds = array<i64: 64, 128>}, {pipeline_mode = #tpu.pipeline_mode<synchronous>, transform_indices = @transform_4, window_bounds = array<i64: 1, 128>}, {transform_indices = @transform_5, window_bounds = array<i64: 1000, 128>}]} {
    %get3A = arith.constant 0 : index
    %get3A_0 = arith.constant 0 : index
    %get3A_1 = vector.load %arg3[%get3A, %get3A_0] : memref<1000x2xf32, #tpu.memory_space<vmem>>, vector<1000x2xf32>
    %reduce_sum3A = arith.constant dense<0.000000e+00> : vector<1000xf32>
    %reduce_sum3A_2 = vector.multi_reduction <add>, %get3A_1, %reduce_sum3A [1] : vector<1000x2xf32> to vector<1000xf32>
    %broadcast_in_dim3A = vector.shape_cast %reduce_sum3A_2 : vector<1000xf32> to vector<1000x1xf32>
    %add3A = arith.constant 1.000000e+00 : f32
    %add3A_3 = vector.broadcast %add3A : f32 to vector<1000x1xf32>
    %add3A_4 = arith.addf %broadcast_in_dim3A, %add3A_3 : vector<1000x1xf32>
    %rsqrt3A = math.rsqrt %add3A_4 : vector<1000x1xf32>
    %get3A_5 = arith.constant 0 : index
    %get3A_6 = arith.constant 0 : index
    %get3A_7 = arith.constant 0 : index
    %get3A_8 = vector.load %arg1[%get3A_5, %get3A_6, %get3A_7] : memref<2x1000x128xf32, #tpu.memory_space<vmem>>, vector<1x1000x128xf32>
    %get3A_9 = vector.shape_cast %get3A_8 : vector<1x1000x128xf32> to vector<1000x128xf32>
    %get3A_10 = arith.constant 1 : index
    %get3A_11 = arith.constant 0 : index
    %get3A_12 = arith.constant 0 : index
    %get3A_13 = vector.load %arg1[%get3A_10, %get3A_11, %get3A_12] : memref<2x1000x128xf32, #tpu.memory_space<vmem>>, vector<1x1000x128xf32>
    %get3A_14 = vector.shape_cast %get3A_13 : vector<1x1000x128xf32> to vector<1000x128xf32>
    %add3A_15 = arith.addf %get3A_9, %get3A_14 : vector<1000x128xf32>
    %get3A_16 = arith.constant 0 : index
    %get3A_17 = arith.constant 0 : index
    %get3A_18 = vector.load %arg2[%get3A_16, %get3A_17] : memref<1000x128xf32, #tpu.memory_space<vmem>>, vector<1000x128xf32>
    %add3A_19 = arith.addf %add3A_15, %get3A_18 : vector<1000x128xf32>
    %slice3A = vector.extract_strided_slice %add3A_19 {offsets = [0, 0], sizes = [1000, 64], strides = [1, 1]} : vector<1000x128xf32> to vector<1000x64xf32>
    %mul3A = vector.broadcast %rsqrt3A : vector<1000x1xf32> to vector<1000x64xf32>
    %mul3A_20 = arith.mulf %mul3A, %slice3A : vector<1000x64xf32>
    %get3A_21 = arith.constant 0 : index
    %get3A_22 = arith.constant 0 : index
    %get3A_23 = vector.load %arg4[%get3A_21, %get3A_22] : memref<64x128xf32, #tpu.memory_space<vmem>>, vector<64x128xf32>
    %dot_general3A = arith.constant dense<0.000000e+00> : vector<1000x128xf32>
    %dot_general3A_24 = tpu.matmul %mul3A_20, %get3A_23, %dot_general3A {dimension_numbers = #tpu.dot_dimension_numbers<[1], [0], [0], [1], [0, 0, 1, 1], [], []>, transpose_lhs_hint = false} : vector<1000x64xf32>, vector<64x128xf32>, vector<1000x128xf32> -> vector<1000x128xf32>
    %get3A_25 = arith.constant 0 : index
    %get3A_26 = arith.constant 0 : index
    %get3A_27 = vector.load %arg5[%get3A_25, %get3A_26] : memref<1x128xf32, #tpu.memory_space<vmem>>, vector<1x128xf32>
    %add3A_28 = vector.broadcast %get3A_27 : vector<1x128xf32> to vector<1000x128xf32>
    %add3A_29 = arith.addf %dot_general3A_24, %add3A_28 : vector<1000x128xf32>
    %reduce_max3A = arith.constant dense<0xFF800000> : vector<1000xf32>
    %reduce_max3A_30 = vector.multi_reduction <maximumf>, %add3A_29, %reduce_max3A [1] : vector<1000x128xf32> to vector<1000xf32>
    %broadcast_in_dim3A_31 = vector.shape_cast %reduce_max3A_30 : vector<1000xf32> to vector<1000x1xf32>
    %sub3A = vector.broadcast %broadcast_in_dim3A_31 : vector<1000x1xf32> to vector<1000x128xf32>
    %sub3A_32 = arith.subf %add3A_29, %sub3A : vector<1000x128xf32>
    %exp3A = math.exp %sub3A_32 : vector<1000x128xf32>
    %reduce_sum3A_33 = arith.constant dense<0.000000e+00> : vector<1000xf32>
    %reduce_sum3A_34 = vector.multi_reduction <add>, %exp3A, %reduce_sum3A_33 [1] : vector<1000x128xf32> to vector<1000xf32>
    %broadcast_in_dim3A_35 = vector.shape_cast %reduce_sum3A_34 : vector<1000xf32> to vector<1000x1xf32>
    %log3A = math.log %broadcast_in_dim3A_35 : vector<1000x1xf32>
    %add3A_36 = arith.addf %broadcast_in_dim3A_31, %log3A : vector<1000x1xf32>
    %sub3A_37 = vector.broadcast %add3A_36 : vector<1000x1xf32> to vector<1000x128xf32>
    %sub3A_38 = arith.subf %add3A_29, %sub3A_37 : vector<1000x128xf32>
    %swap3A = arith.constant 0 : index
    %swap3A_39 = arith.constant 0 : index
    %swap3A_40 = vector.load %arg6[%swap3A, %swap3A_39] : memref<1000x128xf32, #tpu.memory_space<vmem>>, vector<1000x128xf32>
    tpu.vector_store %arg6[%swap3A, %swap3A_39], %sub3A_38 {strides = array<i32>} : memref<1000x128xf32, #tpu.memory_space<vmem>>, vector<1000x128xf32>,
    return
  }
  func.func @transform_0(%arg0: i32) -> (i32, i32, i32) {
    %c0_i32 = arith.constant 0 : i32
    %c0_i32_0 = arith.constant 0 : i32
    %c0_i32_1 = arith.constant 0 : i32
    return %c0_i32, %arg0, %c0_i32_0 : i32, i32, i32
  }
  func.func @transform_1(%arg0: i32) -> (i32, i32) {
    %c0_i32 = arith.constant 0 : i32
    %c0_i32_0 = arith.constant 0 : i32
    return %arg0, %c0_i32 : i32, i32
  }
  func.func @transform_2(%arg0: i32) -> (i32, i32) {
    %c0_i32 = arith.constant 0 : i32
    %c0_i32_0 = arith.constant 0 : i32
    return %arg0, %c0_i32 : i32, i32
  }
  func.func @transform_3(%arg0: i32) -> (i32, i32) {
    %c0_i32 = arith.constant 0 : i32
    %c0_i32_0 = arith.constant 0 : i32
    %c0_i32_1 = arith.constant 0 : i32
    return %c0_i32, %c0_i32_0 : i32, i32
  }
  func.func @transform_4(%arg0: i32) -> (i32, i32) {
    %c0_i32 = arith.constant 0 : i32
    %c0_i32_0 = arith.constant 0 : i32
    %c0_i32_1 = arith.constant 0 : i32
    return %c0_i32, %c0_i32_0 : i32, i32
  }
  func.func @transform_5(%arg0: i32) -> (i32, i32) {
    %c0_i32 = arith.constant 0 : i32
    %c0_i32_0 = arith.constant 0 : i32
    return %arg0, %c0_i32 : i32, i32
  }
}

</mosaic_0001>

<sc_bundles>
// kernel: kernel.10.cloned.1.call-start
scs
__scs_entry_jumppad:
0x0: {  	(pc) =	sbr.rel $0x88, $3  }
0x1: {  	(tag) =	ssettag $0x0;
	lr =	simm.s32 $0x1  }
0x2: {  	[smem:$0x3F99] =	sst lr;
	_ =	strace $0xD0000000  }
0x3: {  	_ = 	snop  }
0x4: {  	_ = 	snop  }
0x5: {  	_ = 	snop  }
0x6: {  	_ = 	snop  }
0x7: {  	_ = 	snop  }
__scs_overlays_trampoline_lowered:
0x8: {  	[smem:$0x3FA8] =	sst s0  }
0x9: {  	[smem:$0x3FA9] =	sst s1  }
0xa: {  	[smem:$0x3FAA] =	sst s2  }
0xb: {  	[smem:$0x3FAB] =	sst s3  }
0xc: {  	[smem:$0x3FAC] =	sst s4  }
0xd: {  	[smem:$0x3FAD] =	sst s5  }
0xe: {  	[smem:$0x3FAE] =	sst s6  }
0xf: {  	[smem:$0x3FAF] =	sst s7  }
0x10: {  	[smem:$0x3FB0] =	sst s8  }
0x11: {  	[smem:$0x3FB1] =	sst s9;
	s0 =	simm.s32 @!p0 $0x0  }
0x12: {  	s1 =	sld [smem:$0x3F97];
	s0 =	simm.s32 @p0 $0x1  }
0x13: {  	[smem:$0x3FB2] =	sst s0;
	s0 =	simm.s32 @!p1 $0x0  }
0x14: {  	s2 =	sld [smem:$0x3F96];
	s0 =	simm.s32 @p1 $0x1  }
0x15: {  	[smem:$0x3FB3] =	sst s0;
	s0 =	simm.s32 @!p2 $0x0  }
0x16: {  	s3 =	sld [smem:$0x3FDB];
	s0 =	simm.s32 @p2 $0x1  }
0x17: {  	s4 =	simm.s32 $0x1BF5;
	[smem:$0x3FB5] =	sst s0  }
0x18: {  	s0 =	sld [smem:$0x3F98];
	_ =	swait.ge [sflag:s4], $0x0  }
0x19: {  	s7 =	sld [smem:$0x3F99]  }
0x1a: {  	s8 =	sadd.s32 $0xFFFFE003, lr  }
0x1b: {  	s9 =	sadd.s32 $0xFFFFFEF7, lr;
	s5 =	simm.s32 $0xFFFFFFFF;
	p2 =	slt.u32 s8, $0xFFFFF086  }
0x1c: {  	p1 =	slt.u32 s9, $0xF7A;
	s5 =	simm.s32 @!p2 $0x0  }
0x1d: {  	s5 =	simm.s32 @p1 $0x1;
	p0 =	seq.s32 s7, s2  }
0x1e: {  	s7 =	smul.u32 @!p0 $0xF7A, s2;
	p2 =	seq.s32 @!p0 s5, $0x0  }
0x1f: {  	s9 =	smul.u32 $0xF7A, s1;
	s8 =	simm.s32 @!p0 $0x1BF5;
	p2 =	por !p2, p0  }
0x20: {  	[sflag:s8] =	ssyncset.s32 @!p0 $0xFFFFF086;
	s6 =	sadd.s32 @!p0 s3, s7;
	s7 =	simm.s32 @!p0 $0x108  }
0x21: {  	s3 =	sadd.s32 s3, s9;
	s6 =	sadd.s32 @!p0 $0x88, s6;
	s7 =	simm.s32 @p2 $0x1082  }
0x22: {  	[simem:s7], [sflag:s8] =	dma.local @!p0 [hbm:s6], $0xF7A  }
0x23: {  	s9 =	sor.u32 $0xD0000000, s2;
	s6 =	simm.s32 $0x108;
	_ =	swait.ge @!p0 [sflag:s8], $0x0  }
0x24: {  	s3 =	sadd.s32 $0x88, s3;
	s6 =	simm.s32 @!p1 $0x1082;
	[sflag:s4] =	ssyncset.s32 $0xFFFFF086  }
0x25: {  	[simem:s6], [sflag:s4] =	dma.local [hbm:s3], $0xF7A  }
0x26: {  	[smem:$0x3F99] =	sst s1;
	(tag) =	ssettag s2;
	_ =	strace s9  }
0x27: {  	s1 =	sld [smem:$0x3FA9]  }
0x28: {  	s2 =	sld [smem:$0x3FAA]  }
0x29: {  	s4 =	sld [smem:$0x3FAC]  }
0x2a: {  	p0 =	seq.s32 s5, $0x0;
	s5 =	sld [smem:$0x3FAD]  }
0x2b: {  	s6 =	sld [smem:$0x3FAE]  }
0x2c: {  	s7 =	sld [smem:$0x3FAF]  }
0x2d: {  	s3 =	simm.s32 $0x108;
	s8 =	sld [smem:$0x3FB0]  }
0x2e: {  	s3 =	simm.s32 @!p0 $0x1082;
	s9 =	sld [smem:$0x3FB1]  }
0x2f: {  	lr =	sadd.s32 s0, s3;
	s0 =	sld [smem:$0x3FA8]  }
0x30: {  	s3 =	sld [smem:$0x3FAB]  }
0x31: {  	[smem:$0x3FB4] =	sst s10  }
0x32: {  	s10 =	sld [smem:$0x3FB2];
	_ =	sdelay $0x3  }
0x33: {  	p0 =	seq.s32 s10, $0x1;
	s10 =	sld [smem:$0x3FB4];
	_ =	sdelay $0x3  }
0x34: {  	[smem:$0x3FB4] =	sst s10  }
0x35: {  	s10 =	sld [smem:$0x3FB3];
	_ =	sdelay $0x3  }
0x36: {  	p1 =	seq.s32 s10, $0x1;
	s10 =	sld [smem:$0x3FB4];
	_ =	sdelay $0x3  }
0x37: {  	[smem:$0x3FB4] =	sst s10  }
0x38: {  	s10 =	sld [smem:$0x3FB5]  }
0x39: {  	_ = 	snop;
	(pc) =	sbr.ind lr, $3  }
0x3a: {  	_ = 	snop  }
0x3b: {  	_ = 	snop  }
0x3c: {  	p2 =	seq.s32 s10, $0x1;
	s10 =	sld [smem:$0x3FB4]  }
0x3d: {  	_ =	shalt  }
0x3e: {  	_ =	shalt  }
0x3f: {  	_ =	shalt  }
0x40: {  	_ =	shalt  }
0x41: {  	_ =	shalt  }
0x42: {  	_ =	shalt  }
0x43: {  	_ =	shalt  }
0x44: {  	_ =	shalt  }
0x45: {  	_ =	shalt  }
0x46: {  	_ =	shalt  }
0x47: {  	_ =	shalt  }
0x48: {  	_ =	shalt  }
0x49: {  	_ =	shalt  }
0x4a: {  	_ =	shalt  }
0x4b: {  	_ =	shalt  }
0x4c: {  	_ =	shalt  }
0x4d: {  	_ =	shalt  }
0x4e: {  	_ =	shalt  }
0x4f: {  	_ =	shalt  }
0x50: {  	_ =	shalt  }
0x51: {  	_ =	shalt  }
0x52: {  	_ =	shalt  }
0x53: {  	_ =	shalt  }
0x54: {  	_ =	shalt  }
0x55: {  	_ =	shalt  }
0x56: {  	_ =	shalt  }
0x57: {  	_ =	shalt  }
0x58: {  	_ =	shalt  }
0x59: {  	_ =	shalt  }
0x5a: {  	_ =	shalt  }
0x5b: {  	_ =	shalt  }
0x5c: {  	_ =	shalt  }
0x5d: {  	_ =	shalt  }
0x5e: {  	_ =	shalt  }
0x5f: {  	_ =	shalt  }
0x60: {  	_ =	shalt  }
0x61: {  	_ =	shalt  }
0x62: {  	_ =	shalt  }
0x63: {  	_ =	shalt  }
0x64: {  	_ =	shalt  }
0x65: {  	_ =	shalt  }
0x66: {  	_ =	shalt  }
0x67: {  	_ =	shalt  }
0x68: {  	_ =	shalt  }
0x69: {  	_ =	shalt  }
0x6a: {  	_ =	shalt  }
0x6b: {  	_ =	shalt  }
0x6c: {  	_ =	shalt  }
0x6d: {  	_ =	shalt  }
0x6e: {  	_ =	shalt  }
0x6f: {  	_ =	shalt  }
0x70: {  	_ =	shalt  }
0x71: {  	_ =	shalt  }
0x72: {  	_ =	shalt  }
0x73: {  	_ =	shalt  }
0x74: {  	_ =	shalt  }
0x75: {  	_ =	shalt  }
0x76: {  	_ =	shalt  }
0x77: {  	_ =	shalt  }
0x78: {  	_ =	shalt  }
0x79: {  	_ =	shalt  }
0x7a: {  	_ =	shalt  }
0x7b: {  	_ =	shalt  }
0x7c: {  	_ =	shalt  }
0x7d: {  	_ =	shalt  }
0x7e: {  	_ =	shalt  }
0x7f: {  	_ =	shalt  }
0x80: {  	_ =	shalt  }
0x81: {  	_ =	shalt  }
0x82: {  	_ =	shalt  }
0x83: {  	_ =	shalt  }
0x84: {  	_ =	shalt  }
0x85: {  	_ =	shalt  }
0x86: {  	_ =	shalt  }
0x87: {  	_ =	shalt  }
.Lfunc_end0:
.L_simem_size_0:
called_computation_lowered:
.L_overlay_start_0:
0x88: {  	s2 =	sld [smem:$0x3FD9]  }
0x89: {  	s3 =	sld [smem:$0x3FFE];
	_ =	sdelay $0x1  }
0x8a: {  	s1 =	srdreg.scid  }
0x8b: {  	s0 =	sand.u32 $0x1, s1  }
0x8c: {  	s17 =	sshll.u32 s0, $0xA;
	s2 =	sadd.s32 s3, s2  }
0x8d: {  	s2 =	sadd.s32 s2, s17  }
0x8e: {  	[smem:$0x3FC0] =	sst s2  }
0x8f: {  	_ = 	snop  }
0x90: {  	s2 =	sld [smem:$0x3FD0];
	(tm) =	ssettm $0x1  }
0x91: {  	s18 =	sld [smem:$0x3FFB];
	_ =	sdelay $0x3  }
0x92: {  	_ =	strace s18  }
0x93: {  	s3 =	sld [smem:$0x3FFC];
	_ =	sdelay $0x3  }
0x94: {  	_ =	strace s3  }
0x95: {  	s3 =	sld [smem:$0x3FFD];
	_ =	sdelay $0x3  }
0x96: {  	_ =	strace s3  }
0x97: {  	_ =	strace $0x8FFFFFFF  }
0x98: {  	s19 =	sld [smem:$0x3FDB];
	_ =	sdelay $0x1  }
0x99: {  	s4 =	simm.s32 $_scs_section_size  }
0x9a: {  	s5 =	simm.s32 $_size__tile_overlayer_lowered;
	s6 =	simm.s32 $_tile_overlayer_lowered  }
0x9b: {  	s22 =	simm.s32 $0x1BFF;
	s21 =	sshll.u32 s6, $0x1;
	s3 =	sadd.s32 s4, s19  }
0x9c: {  	s7 =	simm.s32 $0x0;
	s20 =	sshll.u32 s5, $0x1;
	s5 =	sadd.s32 s21, s3  }
0x9d: {  	[timem:s7], [sflag:s22] =	dma.local [hbm:s5], s20  }
0x9e: {  	_ =	swait.ge [sflag:s22], s20  }
0x9f: {  	s4 =	ssub.s32 $0x0, s20;
	[sflag:s22] =	ssyncset.done $0x0  }
0xa0: {  	[sflag:s22] =	ssyncadd.s32 s4;
	_ =	sdelay $0x1  }
0xa1: {  	s23 =	simm.s32 $0x1B8B  }
0xa2: {  	_ =	swait.ge [sflag:s23], $0x1  }
0xa3: {  	[sflag:s23] =	ssyncset.done $0x0  }
0xa4: {  	s25 =	simm.s32 $0x1B8E;
	s24 =	sld [smem:$0x3FFE];
	[sflag:s23] =	ssyncadd.s32 $0xFFFFFFFF  }
0xa5: {  	s26 =	simm.s32 $execute0_lowered;
	[smem:$0x3FD2] =	sst s25  }
0xa6: {  	s5 =	sshll.u32 s26, $0x1;
	_ =	strace $0x80000046;
	[dreg:$0x1] =	wrdreg $0xFFFFFFFF  }
0xa7: {  	s28 =	simm.s32 $_size_execute0_lowered;
	s3 =	sadd.s32 s3, s5;
	[dreg:$0x0] =	wrdreg $0x0  }
0xa8: {  	s5 =	sshll.u32 s28, $0x1;
	[dreg:$0x2] =	wrdreg s3  }
0xa9: {  	[dreg:$0x3] =	wrdreg s5  }
0xaa: {  	[dreg:$0x4] =	wrdreg $0xC0  }
0xab: {  	_ =	task [dreg:s7], $0x5FFFF  }
0xac: {  	[dreg:$0x1] =	wrdreg $0xFFFFFFFF  }
0xad: {  	[dreg:$0x0] =	wrdreg $0x60  }
0xae: {  	[dreg:$0x2] =	wrdreg s24  }
0xaf: {  	[dreg:$0x3] =	wrdreg s2  }
0xb0: {  	[dreg:$0x4] =	wrdreg $0x40800  }
0xb1: {  	[dreg:$0x5] =	wrdreg $0x9  }
0xb2: {  	_ =	task.clear_ibuf [dreg:s7], $0x6FFFF;
	_ =	strace $0x90000046  }
0xb3: {  	s29 =	simm.s32 $0x9;
	_ =	strace $0x80000048  }
0xb4: {  	_ =	swait.ge [sflag:s29], $0x1  }
0xb5: {  	[sflag:s29] =	ssyncadd.s32 $0xFFFFFFFF  }
0xb6: {  	_ =	strace $0x90000048  }
0xb7: {  	_ =	sfence  }
0xb8: {  	s30 =	sld [smem:$0x0];
	_ =	sdelay $0x2  }
0xb9: {  	s31 =	sshll.u32 s1, $0xD;
	s1 =	sshrl.u32 s1, $0x2  }
0xba: {  	s3 =	sand.u32 $0x4000, s31;
	s1 =	sadd.s32 s1, s30  }
0xbb: {  	s0 =	sor.u32 s3, s0;
	s1 =	sshll.u32 s1, $0x11  }
0xbc: {  	s0 =	sor.u32 s1, s0  }
0xbd: {  	s0 =	sadd.s32 $0x8F2B, s0  }
0xbe: {  	[sflag:s0] =	ssyncadd.remote.s32 $0x1  }
0xbf: {  	_ =	sfence.sel $0xFFFF  }
0xc0: {  	[dreg:$0x0] =	wrdreg $0xFFFFFFFF;
	(pc) =	sbr.abs _section_cstart, $3  }
0xc1: {  	[dreg:$0x1] =	wrdreg $0xFFFFFFFF  }
0xc2: {  	_ =	task.clear_ibuf [dreg:s7], $0x2FFFF;
	_ =	strace $0x9FFFFFFF  }
0xc3: {  	(tm) =	ssettm $0x7FFFFFFF  }
tec
execute0_lowered:
.L_overlay_start_1:
0x0: {  	(tag) =	ssettag $0x1  }
0x1: {  	s6 =	rddreg [dreg:$0x0]  }
0x2: {  	s2 =	rddreg [dreg:$0x1];
	s0 =	srdreg.scid  }
0x3: {  	s3 =	rddreg [dreg:$0x2];
	s1 =	stileid.u32;
	s4 =	simm.s32 $0x0  }
0x4: {  	s15 =	simm.s32 $0x1;
	s18 =	simm.s32 $0x0;
	s8 =	smul.u32 $0x14000, s1  }
0x5: {  	s7 =	sand.u32 $0x1, s0;
	s0 =	rddreg [dreg:$0x3];
	s9 =	smul.u32 $0x9E0, s1  }
0x6: {  	[smem:$0x7FF] =	sst s4;
	s10 =	smul.u32 $0x50000, s1;
	s16 =	sshll.u32 s1, $0x6  }
0x7: {  	s5 =	smul.u32 $0x140000, s7;
	_ =	strace $0x80000047;
	s29 =	ssub.s32 $0x2, s7  }
0x8: {  	s13 =	smul.u32 $0x4F0, s7;
	s16 =	sor.u32 $0x1C01, s16;
	s11 =	sadd.s32 s9, s6  }
0x9: {  	s30 =	sshrl.u32 s10, $0x2;
	s31 =	sshrl.u32 s29, $0x1;
	s8 =	sadd.s32 s8, s5  }
0xa: {  	s5 =	sadd.s32 $0xC800, s6;
	s14 =	ssub.s32 s29, s31;
	s8 =	sshrl.u32 s8, $0x3  }
0xb: {  	s13 =	sadd.s32 s13, s11;
	s12 =	sadd.s32 s8, s6;
	s6 =	sadd.s32 s30, s3  }
0xc: {  	s13 =	sadd.s32 $0x2A00, s13;
	s7 =	sadd.s32 $0x4000, s6;
	s8 =	sadd.s32 $0x8000, s6  }
0xd: {  	s9 =	sadd.s32 $0xC000, s6;
	s10 =	sadd.s32 $0x10000, s6;
	s11 =	sadd.s32 $0xD000, s12  }
0xe: {  	s12 =	smax.u32 s14, $0x1;
	s14 =	simm.s32 $0x80;
	s17 =	sshrl.u32 s6, $0x3  }
.LBB2_1:
0xf: {  	[tilespmem:s14], [sflag:$0x1] =	stream.linear.gather [hbm4b:s5+s4], $0x4000, $0x38;
	[tilespmem:$0x18080] =	vst v63  }
0x10: {  	_ =	swait.ge [sflag:s15], $0x4000  }
0x11: {  	[sflag:s15] =	ssyncset.done $0x0  }
0x12: {  	[sflag:s15] =	ssyncadd.s32 $0xFFFFC000  }
0x13: {  	[spmem:s6] =	stream.linear.scatter [tilespmem:s14], [sflag:$0x1], $0x4000, $0x38;
	[tilespmem:$0x18080] =	vst v63  }
0x14: {  	_ =	swait.ge [sflag:s15], $0x4000  }
0x15: {  	[sflag:s15] =	ssyncset.done $0x0  }
0x16: {  	[sflag:s15] =	ssyncadd.s32 $0xFFFFC000  }
0x17: {  	[spmem:s7] =	stream.linear.scatter [tilespmem:s14], [sflag:$0x1], $0x4000, $0x38;
	[tilespmem:$0x18080] =	vst v63  }
0x18: {  	_ =	swait.ge [sflag:s15], $0x4000  }
0x19: {  	[sflag:s15] =	ssyncset.done $0x0  }
0x1a: {  	[sflag:s15] =	ssyncadd.s32 $0xFFFFC000  }
0x1b: {  	[spmem:s8] =	stream.linear.scatter [tilespmem:s14], [sflag:$0x1], $0x4000, $0x38;
	[tilespmem:$0x18080] =	vst v63  }
0x1c: {  	_ =	swait.ge [sflag:s15], $0x4000  }
0x1d: {  	[sflag:s15] =	ssyncset.done $0x0  }
0x1e: {  	[sflag:s15] =	ssyncadd.s32 $0xFFFFC000  }
0x1f: {  	[spmem:s9] =	stream.linear.scatter [tilespmem:s14], [sflag:$0x1], $0x4000, $0x38;
	[tilespmem:$0x18080] =	vst v63  }
0x20: {  	_ =	swait.ge [sflag:s15], $0x4000  }
0x21: {  	[sflag:s15] =	ssyncset.done $0x0  }
0x22: {  	[sflag:s15] =	ssyncadd.s32 $0xFFFFC000  }
0x23: {  	[spmem:s10] =	stream.linear.scatter [tilespmem:s14], [sflag:$0x1], $0x4000, $0x38;
	[tilespmem:$0x18080] =	vst v63  }
0x24: {  	_ =	swait.ge [sflag:s15], $0x4000  }
0x25: {  	[sflag:s15] =	ssyncset.done $0x0  }
0x26: {  	[sflag:s15] =	ssyncadd.s32 $0xFFFFC000  }
0x27: {  	[tilespmem:s14], [sflag:$0x1] =	stream.linear.gather [hbm4b:s2+s4], $0x4000, $0x38;
	[tilespmem:$0x18080] =	vst v63  }
0x28: {  	_ =	swait.ge [sflag:s15], $0x4000  }
0x29: {  	[sflag:s15] =	ssyncset.done $0x0  }
0x2a: {  	[sflag:s15] =	ssyncadd.s32 $0xFFFFC000  }
0x2b: {  	s19 =	sadd.s32 $0x0, s13;
	[bflag:$0x0] =	sbarrier.arrive $0xFFFF  }
0x2c: {  	[tilespmem:s4], [sflag:$0x1] =	stream.linear.gather [hbm4b:s19+s4], $0x80, $0x38;
	[tilespmem:$0x18080] =	vst v63  }
0x2d: {  	_ =	swait.ge [sflag:s15], $0x80  }
0x2e: {  	[sflag:s15] =	ssyncset.done $0x0  }
0x2f: {  	[sflag:s15] =	ssyncadd.s32 $0xFFFFFF80  }
0x30: {  	[spmem:s3] =	stream.indirect.scatter.add.f32 [tilespmem:s14], [sflag:$0x1], $0x80, s4, s14, $0xb8;
	[tilespmem:$0x18080] =	vst v63  }
0x31: {  	_ =	swait.ge [sflag:s15], $0x4000  }
0x32: {  	s20 =	simm.s32 $0x20;
	s19 =	simm.s32 $0x10;
	[sflag:s15] =	ssyncset.done $0x0  }
.LBB2_2:
0x33: {  	s21 =	sadd.s32 s19, s13  }
0x34: {  	[sflag:s15] =	ssyncadd.s32 $0xFFFFC000;
	s19 =	smov.u32 s20;
	s22 =	sadd.s32 $0x10, s20  }
0x35: {  	[tilespmem:s4], [sflag:$0x1] =	stream.linear.gather [hbm4b:s21+s4], $0x80, $0x38;
	[tilespmem:$0x18080] =	vst v63  }
0x36: {  	p0 =	sne.s32 s20, $0x4E0;
	_ =	swait.ge [sflag:s15], $0x80  }
.Ltmp0:
0x37: {  	[sflag:s15] =	ssyncset.done $0x0;
	(pc) =	sbr.rel @p0 .LBB2_2-.Ltmp0, $4  }
0x38: {  	[sflag:s15] =	ssyncadd.s32 $0xFFFFFF80  }
0x39: {  	[spmem:s3] =	stream.indirect.scatter.add.f32 [tilespmem:s14], [sflag:$0x1], $0x80, s4, s14, $0xb8;
	[tilespmem:$0x18080] =	vst v63  }
0x3a: {  	_ =	swait.ge [sflag:s15], $0x4000  }
0x3b: {  	s20 =	smov.u32 s22;
	[sflag:s15] =	ssyncset.done $0x0  }
0x3c: {  	s19 =	sadd.s32 s19, s13;
	[sflag:s15] =	ssyncadd.s32 $0xFFFFC000  }
0x3d: {  	[tilespmem:s4], [sflag:$0x1] =	stream.linear.gather [hbm4b:s19+s4], $0x80, $0x38;
	[tilespmem:$0x18080] =	vst v63  }
0x3e: {  	_ =	swait.ge [sflag:s15], $0x80  }
0x3f: {  	[sflag:s15] =	ssyncset.done $0x0  }
0x40: {  	[sflag:s15] =	ssyncadd.s32 $0xFFFFFF80  }
0x41: {  	[spmem:s3] =	stream.indirect.scatter.add.f32 [tilespmem:s14], [sflag:$0x1], $0x80, s4, s14, $0xb8;
	[tilespmem:$0x18080] =	vst v63  }
0x42: {  	_ =	swait.ge [sflag:s15], $0x4000  }
0x43: {  	s18 =	sadd.s32 $0x1, s18;
	[sflag:s15] =	ssyncset.done $0x0  }
0x44: {  	p0 =	sne.s32 s18, s12;
	[sflag:s15] =	ssyncadd.s32 $0xFFFFC000  }
.Ltmp1:
0x45: {  	[bflag:$0x0] =	sbarrier.arrive $0xFFFF;
	(pc) =	sbr.rel @p0 .LBB2_1-.Ltmp1, $4  }
0x46: {  	[hbm:s11], [sflag:s16] =	dma.local [spmem:s17], $0x2800  }
0x47: {  	_ =	swait.ge [sflag:s15], $0x2800  }
0x48: {  	[sflag:s15] =	ssyncset.done $0x0  }
0x49: {  	[sflag:s15] =	ssyncadd.s32 $0xFFFFD800  }
0x4a: {  	_ =	sfence.sel $0x180000  }
0x4b: {  	[bflag:$0x0] =	sbarrier.arrive $0xFFFF  }
0x4c: {  	p0 =	sne.s32 s1, $0x0;
	_ =	strace $0x90000047  }
0x4d: {  	s0 =	sadd.s32 @!p0 $0x100000, s0;
	[bflag:$0x2] =	sbarrier.arrive $0xFFFF  }
0x4e: {  	[sflag:s0] =	ssyncadd.tile.s32 @!p0 $0x1;
	_ =	shalt  }
.Lfunc_end2:
_tile_overlayer_lowered:
.L_overlay_start_2:
0x4f: {  	(tag) =	ssettag $0x2  }
0x50: {  	s0 =	rddreg [dreg:$0x0];
	s2 =	stileid.u32  }
0x51: {  	s1 =	rddreg [dreg:$0x1];
	p0 =	sne.s32 s2, $0x0  }
0x52: {  	s3 =	rddreg [dreg:$0x2];
	[bflag:$0x3] =	sbarrier.arrive $0xFFFF;
	s2 =	simm.s32 @!p0 $0x1C01  }
0x53: {  	[timem:s3], [sflag:s2] =	dma.local @!p0 [hbm:s0], s1  }
0x54: {  	s0 =	simm.s32 @!p0 $0x1  }
0x55: {  	_ =	swait.ge @!p0 [sflag:s0], s1  }
0x56: {  	s1 =	ssub.s32 @!p0 $0x0, s1;
	[sflag:s0] =	ssyncset.done @!p0 $0x0  }
0x57: {  	[sflag:s0] =	ssyncadd.s32 @!p0 s1  }
0x58: {  	[bflag:$0x3] =	sbarrier.arrive $0xFFFF  }
0x59: {  	_ =	shalt  }

// kernel: kernel.13.cloned.1.call-start
scs
__scs_entry_jumppad:
0x0: {  	(pc) =	sbr.rel $0x88, $3  }
0x1: {  	(tag) =	ssettag $0x0;
	lr =	simm.s32 $0x1  }
0x2: {  	[smem:$0x3F99] =	sst lr;
	_ =	strace $0xD0000000  }
0x3: {  	_ = 	snop  }
0x4: {  	_ = 	snop  }
0x5: {  	_ = 	snop  }
0x6: {  	_ = 	snop  }
0x7: {  	_ = 	snop  }
__scs_overlays_trampoline_lowered:
0x8: {  	[smem:$0x3FA8] =	sst s0  }
0x9: {  	[smem:$0x3FA9] =	sst s1  }
0xa: {  	[smem:$0x3FAA] =	sst s2  }
0xb: {  	[smem:$0x3FAB] =	sst s3  }
0xc: {  	[smem:$0x3FAC] =	sst s4  }
0xd: {  	[smem:$0x3FAD] =	sst s5  }
0xe: {  	[smem:$0x3FAE] =	sst s6  }
0xf: {  	[smem:$0x3FAF] =	sst s7  }
0x10: {  	[smem:$0x3FB0] =	sst s8  }
0x11: {  	[smem:$0x3FB1] =	sst s9;
	s0 =	simm.s32 @!p0 $0x0  }
0x12: {  	s1 =	sld [smem:$0x3F97];
	s0 =	simm.s32 @p0 $0x1  }
0x13: {  	[smem:$0x3FB2] =	sst s0;
	s0 =	simm.s32 @!p1 $0x0  }
0x14: {  	s2 =	sld [smem:$0x3F96];
	s0 =	simm.s32 @p1 $0x1  }
0x15: {  	[smem:$0x3FB3] =	sst s0;
	s0 =	simm.s32 @!p2 $0x0  }
0x16: {  	s3 =	sld [smem:$0x3FDB];
	s0 =	simm.s32 @p2 $0x1  }
0x17: {  	s4 =	simm.s32 $0x1BF5;
	[smem:$0x3FB5] =	sst s0  }
0x18: {  	s0 =	sld [smem:$0x3F98];
	_ =	swait.ge [sflag:s4], $0x0  }
0x19: {  	s7 =	sld [smem:$0x3F99]  }
0x1a: {  	s8 =	sadd.s32 $0xFFFFE003, lr  }
0x1b: {  	s9 =	sadd.s32 $0xFFFFFEF7, lr;
	s5 =	simm.s32 $0xFFFFFFFF;
	p2 =	slt.u32 s8, $0xFFFFF086  }
0x1c: {  	p1 =	slt.u32 s9, $0xF7A;
	s5 =	simm.s32 @!p2 $0x0  }
0x1d: {  	s5 =	simm.s32 @p1 $0x1;
	p0 =	seq.s32 s7, s2  }
0x1e: {  	s7 =	smul.u32 @!p0 $0xF7A, s2;
	p2 =	seq.s32 @!p0 s5, $0x0  }
0x1f: {  	s9 =	smul.u32 $0xF7A, s1;
	s8 =	simm.s32 @!p0 $0x1BF5;
	p2 =	por !p2, p0  }
0x20: {  	[sflag:s8] =	ssyncset.s32 @!p0 $0xFFFFF086;
	s6 =	sadd.s32 @!p0 s3, s7;
	s7 =	simm.s32 @!p0 $0x108  }
0x21: {  	s3 =	sadd.s32 s3, s9;
	s6 =	sadd.s32 @!p0 $0x88, s6;
	s7 =	simm.s32 @p2 $0x1082  }
0x22: {  	[simem:s7], [sflag:s8] =	dma.local @!p0 [hbm:s6], $0xF7A  }
0x23: {  	s9 =	sor.u32 $0xD0000000, s2;
	s6 =	simm.s32 $0x108;
	_ =	swait.ge @!p0 [sflag:s8], $0x0  }
0x24: {  	s3 =	sadd.s32 $0x88, s3;
	s6 =	simm.s32 @!p1 $0x1082;
	[sflag:s4] =	ssyncset.s32 $0xFFFFF086  }
0x25: {  	[simem:s6], [sflag:s4] =	dma.local [hbm:s3], $0xF7A  }
0x26: {  	[smem:$0x3F99] =	sst s1;
	(tag) =	ssettag s2;
	_ =	strace s9  }
0x27: {  	s1 =	sld [smem:$0x3FA9]  }
0x28: {  	s2 =	sld [smem:$0x3FAA]  }
0x29: {  	s4 =	sld [smem:$0x3FAC]  }
0x2a: {  	p0 =	seq.s32 s5, $0x0;
	s5 =	sld [smem:$0x3FAD]  }
0x2b: {  	s6 =	sld [smem:$0x3FAE]  }
0x2c: {  	s7 =	sld [smem:$0x3FAF]  }
0x2d: {  	s3 =	simm.s32 $0x108;
	s8 =	sld [smem:$0x3FB0]  }
0x2e: {  	s3 =	simm.s32 @!p0 $0x1082;
	s9 =	sld [smem:$0x3FB1]  }
0x2f: {  	lr =	sadd.s32 s0, s3;
	s0 =	sld [smem:$0x3FA8]  }
0x30: {  	s3 =	sld [smem:$0x3FAB]  }
0x31: {  	[smem:$0x3FB4] =	sst s10  }
0x32: {  	s10 =	sld [smem:$0x3FB2];
	_ =	sdelay $0x3  }
0x33: {  	p0 =	seq.s32 s10, $0x1;
	s10 =	sld [smem:$0x3FB4];
	_ =	sdelay $0x3  }
0x34: {  	[smem:$0x3FB4] =	sst s10  }
0x35: {  	s10 =	sld [smem:$0x3FB3];
	_ =	sdelay $0x3  }
0x36: {  	p1 =	seq.s32 s10, $0x1;
	s10 =	sld [smem:$0x3FB4];
	_ =	sdelay $0x3  }
0x37: {  	[smem:$0x3FB4] =	sst s10  }
0x38: {  	s10 =	sld [smem:$0x3FB5]  }
0x39: {  	_ = 	snop;
	(pc) =	sbr.ind lr, $3  }
0x3a: {  	_ = 	snop  }
0x3b: {  	_ = 	snop  }
0x3c: {  	p2 =	seq.s32 s10, $0x1;
	s10 =	sld [smem:$0x3FB4]  }
0x3d: {  	_ =	shalt  }
0x3e: {  	_ =	shalt  }
0x3f: {  	_ =	shalt  }
0x40: {  	_ =	shalt  }
0x41: {  	_ =	shalt  }
0x42: {  	_ =	shalt  }
0x43: {  	_ =	shalt  }
0x44: {  	_ =	shalt  }
0x45: {  	_ =	shalt  }
0x46: {  	_ =	shalt  }
0x47: {  	_ =	shalt  }
0x48: {  	_ =	shalt  }
0x49: {  	_ =	shalt  }
0x4a: {  	_ =	shalt  }
0x4b: {  	_ =	shalt  }
0x4c: {  	_ =	shalt  }
0x4d: {  	_ =	shalt  }
0x4e: {  	_ =	shalt  }
0x4f: {  	_ =	shalt  }
0x50: {  	_ =	shalt  }
0x51: {  	_ =	shalt  }
0x52: {  	_ =	shalt  }
0x53: {  	_ =	shalt  }
0x54: {  	_ =	shalt  }
0x55: {  	_ =	shalt  }
0x56: {  	_ =	shalt  }
0x57: {  	_ =	shalt  }
0x58: {  	_ =	shalt  }
0x59: {  	_ =	shalt  }
0x5a: {  	_ =	shalt  }
0x5b: {  	_ =	shalt  }
0x5c: {  	_ =	shalt  }
0x5d: {  	_ =	shalt  }
0x5e: {  	_ =	shalt  }
0x5f: {  	_ =	shalt  }
0x60: {  	_ =	shalt  }
0x61: {  	_ =	shalt  }
0x62: {  	_ =	shalt  }
0x63: {  	_ =	shalt  }
0x64: {  	_ =	shalt  }
0x65: {  	_ =	shalt  }
0x66: {  	_ =	shalt  }
0x67: {  	_ =	shalt  }
0x68: {  	_ =	shalt  }
0x69: {  	_ =	shalt  }
0x6a: {  	_ =	shalt  }
0x6b: {  	_ =	shalt  }
0x6c: {  	_ =	shalt  }
0x6d: {  	_ =	shalt  }
0x6e: {  	_ =	shalt  }
0x6f: {  	_ =	shalt  }
0x70: {  	_ =	shalt  }
0x71: {  	_ =	shalt  }
0x72: {  	_ =	shalt  }
0x73: {  	_ =	shalt  }
0x74: {  	_ =	shalt  }
0x75: {  	_ =	shalt  }
0x76: {  	_ =	shalt  }
0x77: {  	_ =	shalt  }
0x78: {  	_ =	shalt  }
0x79: {  	_ =	shalt  }
0x7a: {  	_ =	shalt  }
0x7b: {  	_ =	shalt  }
0x7c: {  	_ =	shalt  }
0x7d: {  	_ =	shalt  }
0x7e: {  	_ =	shalt  }
0x7f: {  	_ =	shalt  }
0x80: {  	_ =	shalt  }
0x81: {  	_ =	shalt  }
0x82: {  	_ =	shalt  }
0x83: {  	_ =	shalt  }
0x84: {  	_ =	shalt  }
0x85: {  	_ =	shalt  }
0x86: {  	_ =	shalt  }
0x87: {  	_ =	shalt  }
.Lfunc_end0:
.L_simem_size_0:
called_computation.1_lowered:
.L_overlay_start_0:
0x88: {  	s2 =	sld [smem:$0x3FD9]  }
0x89: {  	s3 =	sld [smem:$0x3FFE];
	_ =	sdelay $0x1  }
0x8a: {  	s1 =	srdreg.scid  }
0x8b: {  	s0 =	sand.u32 $0x1, s1  }
0x8c: {  	s17 =	sshll.u32 s0, $0xA;
	s2 =	sadd.s32 s3, s2  }
0x8d: {  	s2 =	sadd.s32 s2, s17  }
0x8e: {  	[smem:$0x3FC0] =	sst s2  }
0x8f: {  	_ = 	snop  }
0x90: {  	s2 =	sld [smem:$0x3FD0];
	(tm) =	ssettm $0x1  }
0x91: {  	s18 =	sld [smem:$0x3FFB];
	_ =	sdelay $0x3  }
0x92: {  	_ =	strace s18  }
0x93: {  	s3 =	sld [smem:$0x3FFC];
	_ =	sdelay $0x3  }
0x94: {  	_ =	strace s3  }
0x95: {  	s3 =	sld [smem:$0x3FFD];
	_ =	sdelay $0x3  }
0x96: {  	_ =	strace s3  }
0x97: {  	_ =	strace $0x8FFFFFFF  }
0x98: {  	s19 =	sld [smem:$0x3FDB];
	_ =	sdelay $0x1  }
0x99: {  	s4 =	simm.s32 $_scs_section_size  }
0x9a: {  	s5 =	simm.s32 $_size__tile_overlayer_lowered;
	s6 =	simm.s32 $_tile_overlayer_lowered  }
0x9b: {  	s22 =	simm.s32 $0x1BFF;
	s21 =	sshll.u32 s6, $0x1;
	s3 =	sadd.s32 s4, s19  }
0x9c: {  	s7 =	simm.s32 $0x0;
	s20 =	sshll.u32 s5, $0x1;
	s5 =	sadd.s32 s21, s3  }
0x9d: {  	[timem:s7], [sflag:s22] =	dma.local [hbm:s5], s20  }
0x9e: {  	_ =	swait.ge [sflag:s22], s20  }
0x9f: {  	s4 =	ssub.s32 $0x0, s20;
	[sflag:s22] =	ssyncset.done $0x0  }
0xa0: {  	[sflag:s22] =	ssyncadd.s32 s4;
	_ =	sdelay $0x1  }
0xa1: {  	s23 =	simm.s32 $0x1B8B  }
0xa2: {  	_ =	swait.ge [sflag:s23], $0x1  }
0xa3: {  	[sflag:s23] =	ssyncset.done $0x0  }
0xa4: {  	s25 =	simm.s32 $0x1B8E;
	s24 =	sld [smem:$0x3FFE];
	[sflag:s23] =	ssyncadd.s32 $0xFFFFFFFF  }
0xa5: {  	s26 =	simm.s32 $execute0_lowered;
	[smem:$0x3FD2] =	sst s25  }
0xa6: {  	s5 =	sshll.u32 s26, $0x1;
	_ =	strace $0x80000049;
	[dreg:$0x1] =	wrdreg $0xFFFFFFFF  }
0xa7: {  	s28 =	simm.s32 $_size_execute0_lowered;
	s3 =	sadd.s32 s3, s5;
	[dreg:$0x0] =	wrdreg $0x0  }
0xa8: {  	s5 =	sshll.u32 s28, $0x1;
	[dreg:$0x2] =	wrdreg s3  }
0xa9: {  	[dreg:$0x3] =	wrdreg s5  }
0xaa: {  	[dreg:$0x4] =	wrdreg $0xC0  }
0xab: {  	_ =	task [dreg:s7], $0x5FFFF  }
0xac: {  	[dreg:$0x1] =	wrdreg $0xFFFFFFFF  }
0xad: {  	[dreg:$0x0] =	wrdreg $0x60  }
0xae: {  	[dreg:$0x2] =	wrdreg s24  }
0xaf: {  	[dreg:$0x3] =	wrdreg s2  }
0xb0: {  	[dreg:$0x4] =	wrdreg $0x41000  }
0xb1: {  	[dreg:$0x5] =	wrdreg $0x9  }
0xb2: {  	_ =	task.clear_ibuf [dreg:s7], $0x6FFFF;
	_ =	strace $0x90000049  }
0xb3: {  	s29 =	simm.s32 $0x9;
	_ =	strace $0x8000004B  }
0xb4: {  	_ =	swait.ge [sflag:s29], $0x1  }
0xb5: {  	[sflag:s29] =	ssyncadd.s32 $0xFFFFFFFF  }
0xb6: {  	_ =	strace $0x9000004B  }
0xb7: {  	_ =	sfence  }
0xb8: {  	s30 =	sld [smem:$0x0];
	_ =	sdelay $0x2  }
0xb9: {  	s31 =	sshll.u32 s1, $0xD;
	s1 =	sshrl.u32 s1, $0x2  }
0xba: {  	s3 =	sand.u32 $0x4000, s31;
	s1 =	sadd.s32 s1, s30  }
0xbb: {  	s0 =	sor.u32 s3, s0;
	s1 =	sshll.u32 s1, $0x11  }
0xbc: {  	s0 =	sor.u32 s1, s0  }
0xbd: {  	s0 =	sadd.s32 $0x8F2B, s0  }
0xbe: {  	[sflag:s0] =	ssyncadd.remote.s32 $0x1  }
0xbf: {  	_ =	sfence.sel $0xFFFF  }
0xc0: {  	[dreg:$0x0] =	wrdreg $0xFFFFFFFF;
	(pc) =	sbr.abs _section_cstart, $3  }
0xc1: {  	[dreg:$0x1] =	wrdreg $0xFFFFFFFF  }
0xc2: {  	_ =	task.clear_ibuf [dreg:s7], $0x2FFFF;
	_ =	strace $0x9FFFFFFF  }
0xc3: {  	(tm) =	ssettm $0x7FFFFFFF  }
tec
execute0_lowered:
.L_overlay_start_1:
0x0: {  	(tag) =	ssettag $0x1  }
0x1: {  	s6 =	rddreg [dreg:$0x0]  }
0x2: {  	s2 =	rddreg [dreg:$0x1];
	s0 =	srdreg.scid  }
0x3: {  	s3 =	rddreg [dreg:$0x2];
	s1 =	stileid.u32;
	s4 =	simm.s32 $0x0  }
0x4: {  	s16 =	simm.s32 $0x2;
	s17 =	simm.s32 $0x80;
	s8 =	smul.u32 $0x14000, s1  }
0x5: {  	s18 =	simm.s32 $0x1;
	s21 =	simm.s32 $0x0;
	s9 =	smul.u32 $0x9E0, s1  }
0x6: {  	s7 =	sand.u32 $0x1, s0;
	s0 =	rddreg [dreg:$0x3];
	s10 =	smul.u32 $0x50000, s1  }
0x7: {  	[smem:$0x7FF] =	sst s4;
	s19 =	sshll.u32 s1, $0x6;
	s5 =	smul.u32 $0x140000, s7  }
0x8: {  	_ =	strace $0x8000004A;
	s29 =	ssub.s32 $0x2, s7;
	s13 =	smul.u32 $0x4F0, s7  }
0x9: {  	s19 =	sor.u32 $0x1C02, s19;
	s11 =	sadd.s32 s9, s6;
	s30 =	sshrl.u32 s10, $0x2  }
0xa: {  	s31 =	sshrl.u32 s29, $0x1;
	s8 =	sadd.s32 s8, s5;
	s5 =	sadd.s32 $0xC800, s6  }
0xb: {  	s14 =	ssub.s32 s29, s31;
	s15 =	sadd.s32 s13, s11;
	s8 =	sshrl.u32 s8, $0x3  }
0xc: {  	s13 =	sadd.s32 $0x2A00, s15;
	s12 =	sadd.s32 s8, s6;
	s6 =	sadd.s32 s30, s3  }
0xd: {  	s7 =	sadd.s32 $0x4000, s6;
	s8 =	sadd.s32 $0x8000, s6;
	s9 =	sadd.s32 $0xC000, s6  }
0xe: {  	s10 =	sadd.s32 $0x10000, s6;
	s11 =	sadd.s32 $0xD000, s12;
	s12 =	smax.u32 s14, $0x1  }
0xf: {  	s14 =	sadd.s32 $0x5D000, s15;
	s15 =	simm.s32 $0x100;
	s20 =	sshrl.u32 s6, $0x3  }
.LBB2_1:
0x10: {  	[tilespmem:s15], [sflag:$0x2] =	stream.linear.gather [hbm4b:s5+s4], $0x4000, $0x38;
	[tilespmem:$0x18100] =	vst v63  }
0x11: {  	_ =	swait.ge [sflag:s16], $0x4000  }
0x12: {  	[sflag:s16] =	ssyncset.done $0x0  }
0x13: {  	[sflag:s16] =	ssyncadd.s32 $0xFFFFC000  }
0x14: {  	[spmem:s6] =	stream.linear.scatter [tilespmem:s15], [sflag:$0x2], $0x4000, $0x38;
	[tilespmem:$0x18100] =	vst v63  }
0x15: {  	_ =	swait.ge [sflag:s16], $0x4000  }
0x16: {  	[sflag:s16] =	ssyncset.done $0x0  }
0x17: {  	[sflag:s16] =	ssyncadd.s32 $0xFFFFC000  }
0x18: {  	[spmem:s7] =	stream.linear.scatter [tilespmem:s15], [sflag:$0x2], $0x4000, $0x38;
	[tilespmem:$0x18100] =	vst v63  }
0x19: {  	_ =	swait.ge [sflag:s16], $0x4000  }
0x1a: {  	[sflag:s16] =	ssyncset.done $0x0  }
0x1b: {  	[sflag:s16] =	ssyncadd.s32 $0xFFFFC000  }
0x1c: {  	[spmem:s8] =	stream.linear.scatter [tilespmem:s15], [sflag:$0x2], $0x4000, $0x38;
	[tilespmem:$0x18100] =	vst v63  }
0x1d: {  	_ =	swait.ge [sflag:s16], $0x4000  }
0x1e: {  	[sflag:s16] =	ssyncset.done $0x0  }
0x1f: {  	[sflag:s16] =	ssyncadd.s32 $0xFFFFC000  }
0x20: {  	[spmem:s9] =	stream.linear.scatter [tilespmem:s15], [sflag:$0x2], $0x4000, $0x38;
	[tilespmem:$0x18100] =	vst v63  }
0x21: {  	_ =	swait.ge [sflag:s16], $0x4000  }
0x22: {  	[sflag:s16] =	ssyncset.done $0x0  }
0x23: {  	[sflag:s16] =	ssyncadd.s32 $0xFFFFC000  }
0x24: {  	[spmem:s10] =	stream.linear.scatter [tilespmem:s15], [sflag:$0x2], $0x4000, $0x38;
	[tilespmem:$0x18100] =	vst v63  }
0x25: {  	_ =	swait.ge [sflag:s16], $0x4000  }
0x26: {  	[sflag:s16] =	ssyncset.done $0x0  }
0x27: {  	[sflag:s16] =	ssyncadd.s32 $0xFFFFC000  }
0x28: {  	s22 =	sadd.s32 $0x0, s14;
	[bflag:$0x0] =	sbarrier.arrive $0xFFFF  }
0x29: {  	[tilespmem:s4], [sflag:$0x2] =	stream.linear.gather [hbm4b:s22+s4], $0x80, $0x38;
	[tilespmem:$0x18100] =	vst v63  }
0x2a: {  	_ =	swait.ge [sflag:s16], $0x80  }
0x2b: {  	[sflag:s16] =	ssyncset.done $0x0  }
0x2c: {  	s31 =	sadd.s32 $0x0, s13;
	[sflag:s16] =	ssyncadd.s32 $0xFFFFFF80  }
0x2d: {  	[tilespmem:s17], [sflag:$0x2] =	stream.linear.gather [hbm4b:s31+s4], $0x80, $0x38;
	[tilespmem:$0x18100] =	vst v63  }
0x2e: {  	_ =	swait.ge [sflag:s16], $0x80  }
0x2f: {  	[sflag:s16] =	ssyncset.done $0x0  }
0x30: {  	[sflag:s16] =	ssyncadd.s32 $0xFFFFFF80  }
0x31: {  	[tilespmem:s15], [sflag:$0x1] =	stream.indirect.gather [hbm4b:s2+s17], $0x80, s4, s17, $0xb8;
	[tilespmem:$0x18100] =	vst v63  }
0x32: {  	_ =	swait.ge [sflag:s18], $0x4000  }
0x33: {  	[sflag:s18] =	ssyncset.done $0x0  }
0x34: {  	[sflag:s18] =	ssyncadd.s32 $0xFFFFC000  }
0x35: {  	[spmem:s3] =	stream.indirect.scatter.add.f32 [tilespmem:s15], [sflag:$0x2], $0x80, s17, s17, $0xb8;
	[tilespmem:$0x18100] =	vst v63  }
0x36: {  	_ =	swait.ge [sflag:s16], $0x4000  }
0x37: {  	s23 =	simm.s32 $0x20;
	s22 =	simm.s32 $0x10;
	[sflag:s16] =	ssyncset.done $0x0  }
.LBB2_2:
0x38: {  	s24 =	sadd.s32 s22, s14  }
0x39: {  	[sflag:s16] =	ssyncadd.s32 $0xFFFFC000;
	s25 =	smov.u32 s23;
	s26 =	sadd.s32 $0x10, s23  }
0x3a: {  	[tilespmem:s4], [sflag:$0x2] =	stream.linear.gather [hbm4b:s24+s4], $0x80, $0x38;
	[tilespmem:$0x18100] =	vst v63  }
0x3b: {  	p0 =	sne.s32 s23, $0x4E0;
	_ =	swait.ge [sflag:s16], $0x80  }
0x3c: {  	[sflag:s16] =	ssyncset.done $0x0  }
0x3d: {  	s23 =	sadd.s32 s22, s13;
	s22 =	smov.u32 s25;
	[sflag:s16] =	ssyncadd.s32 $0xFFFFFF80  }
0x3e: {  	[tilespmem:s17], [sflag:$0x2] =	stream.linear.gather [hbm4b:s23+s4], $0x80, $0x38;
	[tilespmem:$0x18100] =	vst v63  }
0x3f: {  	_ =	swait.ge [sflag:s16], $0x80  }
0x40: {  	[sflag:s16] =	ssyncset.done $0x0  }
0x41: {  	[sflag:s16] =	ssyncadd.s32 $0xFFFFFF80  }
0x42: {  	[tilespmem:s15], [sflag:$0x1] =	stream.indirect.gather [hbm4b:s2+s17], $0x80, s4, s17, $0xb8;
	[tilespmem:$0x18100] =	vst v63  }
0x43: {  	_ =	swait.ge [sflag:s18], $0x4000  }
.Ltmp0:
0x44: {  	[sflag:s18] =	ssyncset.done $0x0;
	(pc) =	sbr.rel @p0 .LBB2_2-.Ltmp0, $4  }
0x45: {  	[sflag:s18] =	ssyncadd.s32 $0xFFFFC000  }
0x46: {  	[spmem:s3] =	stream.indirect.scatter.add.f32 [tilespmem:s15], [sflag:$0x2], $0x80, s17, s17, $0xb8;
	[tilespmem:$0x18100] =	vst v63  }
0x47: {  	_ =	swait.ge [sflag:s16], $0x4000  }
0x48: {  	s23 =	smov.u32 s26;
	[sflag:s16] =	ssyncset.done $0x0  }
0x49: {  	s23 =	sadd.s32 s22, s14;
	[sflag:s16] =	ssyncadd.s32 $0xFFFFC000  }
0x4a: {  	[tilespmem:s4], [sflag:$0x2] =	stream.linear.gather [hbm4b:s23+s4], $0x80, $0x38;
	[tilespmem:$0x18100] =	vst v63  }
0x4b: {  	_ =	swait.ge [sflag:s16], $0x80  }
0x4c: {  	[sflag:s16] =	ssyncset.done $0x0  }
0x4d: {  	s31 =	sadd.s32 s22, s13;
	[sflag:s16] =	ssyncadd.s32 $0xFFFFFF80  }
0x4e: {  	[tilespmem:s17], [sflag:$0x2] =	stream.linear.gather [hbm4b:s31+s4], $0x80, $0x38;
	[tilespmem:$0x18100] =	vst v63  }
0x4f: {  	_ =	swait.ge [sflag:s16], $0x80  }
0x50: {  	[sflag:s16] =	ssyncset.done $0x0  }
0x51: {  	[sflag:s16] =	ssyncadd.s32 $0xFFFFFF80  }
0x52: {  	[tilespmem:s15], [sflag:$0x1] =	stream.indirect.gather [hbm4b:s2+s17], $0x80, s4, s17, $0xb8;
	[tilespmem:$0x18100] =	vst v63  }
0x53: {  	_ =	swait.ge [sflag:s18], $0x4000  }
0x54: {  	[sflag:s18] =	ssyncset.done $0x0  }
0x55: {  	[sflag:s18] =	ssyncadd.s32 $0xFFFFC000  }
0x56: {  	[spmem:s3] =	stream.indirect.scatter.add.f32 [tilespmem:s15], [sflag:$0x2], $0x80, s17, s17, $0xb8;
	[tilespmem:$0x18100] =	vst v63  }
0x57: {  	_ =	swait.ge [sflag:s16], $0x4000  }
0x58: {  	s21 =	sadd.s32 $0x1, s21;
	[sflag:s16] =	ssyncset.done $0x0  }
0x59: {  	p0 =	sne.s32 s21, s12;
	[sflag:s16] =	ssyncadd.s32 $0xFFFFC000  }
.Ltmp1:
0x5a: {  	[bflag:$0x0] =	sbarrier.arrive $0xFFFF;
	(pc) =	sbr.rel @p0 .LBB2_1-.Ltmp1, $4  }
0x5b: {  	[hbm:s11], [sflag:s19] =	dma.local [spmem:s20], $0x2800  }
0x5c: {  	_ =	swait.ge [sflag:s16], $0x2800  }
0x5d: {  	[sflag:s16] =	ssyncset.done $0x0  }
0x5e: {  	[sflag:s16] =	ssyncadd.s32 $0xFFFFD800  }
0x5f: {  	_ =	sfence.sel $0x180000  }
0x60: {  	[bflag:$0x0] =	sbarrier.arrive $0xFFFF  }
0x61: {  	p0 =	sne.s32 s1, $0x0;
	_ =	strace $0x9000004A  }
0x62: {  	s0 =	sadd.s32 @!p0 $0x100000, s0;
	[bflag:$0x2] =	sbarrier.arrive $0xFFFF  }
0x63: {  	[sflag:s0] =	ssyncadd.tile.s32 @!p0 $0x1;
	_ =	shalt  }
.Lfunc_end2:
_tile_overlayer_lowered:
.L_overlay_start_2:
0x64: {  	(tag) =	ssettag $0x2  }
0x65: {  	s0 =	rddreg [dreg:$0x0];
	s2 =	stileid.u32  }
0x66: {  	s1 =	rddreg [dreg:$0x1];
	p0 =	sne.s32 s2, $0x0  }
0x67: {  	s3 =	rddreg [dreg:$0x2];
	[bflag:$0x3] =	sbarrier.arrive $0xFFFF;
	s2 =	simm.s32 @!p0 $0x1C02  }
0x68: {  	[timem:s3], [sflag:s2] =	dma.local @!p0 [hbm:s0], s1  }
0x69: {  	s0 =	simm.s32 @!p0 $0x2  }
0x6a: {  	_ =	swait.ge @!p0 [sflag:s0], s1  }
0x6b: {  	s1 =	ssub.s32 @!p0 $0x0, s1;
	[sflag:s0] =	ssyncset.done @!p0 $0x0  }
0x6c: {  	[sflag:s0] =	ssyncadd.s32 @!p0 s1  }
0x6d: {  	[bflag:$0x3] =	sbarrier.arrive $0xFFFF  }
0x6e: {  	_ =	shalt  }

// kernel: kernel.16.cloned.1.call-start
scs
__scs_entry_jumppad:
0x0: {  	(pc) =	sbr.rel $0x88, $3  }
0x1: {  	(tag) =	ssettag $0x0;
	lr =	simm.s32 $0x1  }
0x2: {  	[smem:$0x3F99] =	sst lr;
	_ =	strace $0xD0000000  }
0x3: {  	_ = 	snop  }
0x4: {  	_ = 	snop  }
0x5: {  	_ = 	snop  }
0x6: {  	_ = 	snop  }
0x7: {  	_ = 	snop  }
__scs_overlays_trampoline_lowered:
0x8: {  	[smem:$0x3FA8] =	sst s0  }
0x9: {  	[smem:$0x3FA9] =	sst s1  }
0xa: {  	[smem:$0x3FAA] =	sst s2  }
0xb: {  	[smem:$0x3FAB] =	sst s3  }
0xc: {  	[smem:$0x3FAC] =	sst s4  }
0xd: {  	[smem:$0x3FAD] =	sst s5  }
0xe: {  	[smem:$0x3FAE] =	sst s6  }
0xf: {  	[smem:$0x3FAF] =	sst s7  }
0x10: {  	[smem:$0x3FB0] =	sst s8  }
0x11: {  	[smem:$0x3FB1] =	sst s9;
	s0 =	simm.s32 @!p0 $0x0  }
0x12: {  	s1 =	sld [smem:$0x3F97];
	s0 =	simm.s32 @p0 $0x1  }
0x13: {  	[smem:$0x3FB2] =	sst s0;
	s0 =	simm.s32 @!p1 $0x0  }
0x14: {  	s2 =	sld [smem:$0x3F96];
	s0 =	simm.s32 @p1 $0x1  }
0x15: {  	[smem:$0x3FB3] =	sst s0;
	s0 =	simm.s32 @!p2 $0x0  }
0x16: {  	s3 =	sld [smem:$0x3FDB];
	s0 =	simm.s32 @p2 $0x1  }
0x17: {  	s4 =	simm.s32 $0x1BF5;
	[smem:$0x3FB5] =	sst s0  }
0x18: {  	s0 =	sld [smem:$0x3F98];
	_ =	swait.ge [sflag:s4], $0x0  }
0x19: {  	s7 =	sld [smem:$0x3F99]  }
0x1a: {  	s8 =	sadd.s32 $0xFFFFE003, lr  }
0x1b: {  	s9 =	sadd.s32 $0xFFFFFEF7, lr;
	s5 =	simm.s32 $0xFFFFFFFF;
	p2 =	slt.u32 s8, $0xFFFFF086  }
0x1c: {  	p1 =	slt.u32 s9, $0xF7A;
	s5 =	simm.s32 @!p2 $0x0  }
0x1d: {  	s5 =	simm.s32 @p1 $0x1;
	p0 =	seq.s32 s7, s2  }
0x1e: {  	s7 =	smul.u32 @!p0 $0xF7A, s2;
	p2 =	seq.s32 @!p0 s5, $0x0  }
0x1f: {  	s9 =	smul.u32 $0xF7A, s1;
	s8 =	simm.s32 @!p0 $0x1BF5;
	p2 =	por !p2, p0  }
0x20: {  	[sflag:s8] =	ssyncset.s32 @!p0 $0xFFFFF086;
	s6 =	sadd.s32 @!p0 s3, s7;
	s7 =	simm.s32 @!p0 $0x108  }
0x21: {  	s3 =	sadd.s32 s3, s9;
	s6 =	sadd.s32 @!p0 $0x88, s6;
	s7 =	simm.s32 @p2 $0x1082  }
0x22: {  	[simem:s7], [sflag:s8] =	dma.local @!p0 [hbm:s6], $0xF7A  }
0x23: {  	s9 =	sor.u32 $0xD0000000, s2;
	s6 =	simm.s32 $0x108;
	_ =	swait.ge @!p0 [sflag:s8], $0x0  }
0x24: {  	s3 =	sadd.s32 $0x88, s3;
	s6 =	simm.s32 @!p1 $0x1082;
	[sflag:s4] =	ssyncset.s32 $0xFFFFF086  }
0x25: {  	[simem:s6], [sflag:s4] =	dma.local [hbm:s3], $0xF7A  }
0x26: {  	[smem:$0x3F99] =	sst s1;
	(tag) =	ssettag s2;
	_ =	strace s9  }
0x27: {  	s1 =	sld [smem:$0x3FA9]  }
0x28: {  	s2 =	sld [smem:$0x3FAA]  }
0x29: {  	s4 =	sld [smem:$0x3FAC]  }
0x2a: {  	p0 =	seq.s32 s5, $0x0;
	s5 =	sld [smem:$0x3FAD]  }
0x2b: {  	s6 =	sld [smem:$0x3FAE]  }
0x2c: {  	s7 =	sld [smem:$0x3FAF]  }
0x2d: {  	s3 =	simm.s32 $0x108;
	s8 =	sld [smem:$0x3FB0]  }
0x2e: {  	s3 =	simm.s32 @!p0 $0x1082;
	s9 =	sld [smem:$0x3FB1]  }
0x2f: {  	lr =	sadd.s32 s0, s3;
	s0 =	sld [smem:$0x3FA8]  }
0x30: {  	s3 =	sld [smem:$0x3FAB]  }
0x31: {  	[smem:$0x3FB4] =	sst s10  }
0x32: {  	s10 =	sld [smem:$0x3FB2];
	_ =	sdelay $0x3  }
0x33: {  	p0 =	seq.s32 s10, $0x1;
	s10 =	sld [smem:$0x3FB4];
	_ =	sdelay $0x3  }
0x34: {  	[smem:$0x3FB4] =	sst s10  }
0x35: {  	s10 =	sld [smem:$0x3FB3];
	_ =	sdelay $0x3  }
0x36: {  	p1 =	seq.s32 s10, $0x1;
	s10 =	sld [smem:$0x3FB4];
	_ =	sdelay $0x3  }
0x37: {  	[smem:$0x3FB4] =	sst s10  }
0x38: {  	s10 =	sld [smem:$0x3FB5]  }
0x39: {  	_ = 	snop;
	(pc) =	sbr.ind lr, $3  }
0x3a: {  	_ = 	snop  }
0x3b: {  	_ = 	snop  }
0x3c: {  	p2 =	seq.s32 s10, $0x1;
	s10 =	sld [smem:$0x3FB4]  }
0x3d: {  	_ =	shalt  }
0x3e: {  	_ =	shalt  }
0x3f: {  	_ =	shalt  }
0x40: {  	_ =	shalt  }
0x41: {  	_ =	shalt  }
0x42: {  	_ =	shalt  }
0x43: {  	_ =	shalt  }
0x44: {  	_ =	shalt  }
0x45: {  	_ =	shalt  }
0x46: {  	_ =	shalt  }
0x47: {  	_ =	shalt  }
0x48: {  	_ =	shalt  }
0x49: {  	_ =	shalt  }
0x4a: {  	_ =	shalt  }
0x4b: {  	_ =	shalt  }
0x4c: {  	_ =	shalt  }
0x4d: {  	_ =	shalt  }
0x4e: {  	_ =	shalt  }
0x4f: {  	_ =	shalt  }
0x50: {  	_ =	shalt  }
0x51: {  	_ =	shalt  }
0x52: {  	_ =	shalt  }
0x53: {  	_ =	shalt  }
0x54: {  	_ =	shalt  }
0x55: {  	_ =	shalt  }
0x56: {  	_ =	shalt  }
0x57: {  	_ =	shalt  }
0x58: {  	_ =	shalt  }
0x59: {  	_ =	shalt  }
0x5a: {  	_ =	shalt  }
0x5b: {  	_ =	shalt  }
0x5c: {  	_ =	shalt  }
0x5d: {  	_ =	shalt  }
0x5e: {  	_ =	shalt  }
0x5f: {  	_ =	shalt  }
0x60: {  	_ =	shalt  }
0x61: {  	_ =	shalt  }
0x62: {  	_ =	shalt  }
0x63: {  	_ =	shalt  }
0x64: {  	_ =	shalt  }
0x65: {  	_ =	shalt  }
0x66: {  	_ =	shalt  }
0x67: {  	_ =	shalt  }
0x68: {  	_ =	shalt  }
0x69: {  	_ =	shalt  }
0x6a: {  	_ =	shalt  }
0x6b: {  	_ =	shalt  }
0x6c: {  	_ =	shalt  }
0x6d: {  	_ =	shalt  }
0x6e: {  	_ =	shalt  }
0x6f: {  	_ =	shalt  }
0x70: {  	_ =	shalt  }
0x71: {  	_ =	shalt  }
0x72: {  	_ =	shalt  }
0x73: {  	_ =	shalt  }
0x74: {  	_ =	shalt  }
0x75: {  	_ =	shalt  }
0x76: {  	_ =	shalt  }
0x77: {  	_ =	shalt  }
0x78: {  	_ =	shalt  }
0x79: {  	_ =	shalt  }
0x7a: {  	_ =	shalt  }
0x7b: {  	_ =	shalt  }
0x7c: {  	_ =	shalt  }
0x7d: {  	_ =	shalt  }
0x7e: {  	_ =	shalt  }
0x7f: {  	_ =	shalt  }
0x80: {  	_ =	shalt  }
0x81: {  	_ =	shalt  }
0x82: {  	_ =	shalt  }
0x83: {  	_ =	shalt  }
0x84: {  	_ =	shalt  }
0x85: {  	_ =	shalt  }
0x86: {  	_ =	shalt  }
0x87: {  	_ =	shalt  }
.Lfunc_end0:
.L_simem_size_0:
called_computation.2_lowered:
.L_overlay_start_0:
0x88: {  	s2 =	sld [smem:$0x3FD9]  }
0x89: {  	s3 =	sld [smem:$0x3FFE];
	_ =	sdelay $0x1  }
0x8a: {  	s1 =	srdreg.scid  }
0x8b: {  	s0 =	sand.u32 $0x1, s1  }
0x8c: {  	s17 =	sshll.u32 s0, $0xA;
	s2 =	sadd.s32 s3, s2  }
0x8d: {  	s2 =	sadd.s32 s2, s17  }
0x8e: {  	[smem:$0x3FC0] =	sst s2  }
0x8f: {  	_ = 	snop  }
0x90: {  	s2 =	sld [smem:$0x3FD0];
	(tm) =	ssettm $0x1  }
0x91: {  	s18 =	sld [smem:$0x3FFB];
	_ =	sdelay $0x3  }
0x92: {  	_ =	strace s18  }
0x93: {  	s3 =	sld [smem:$0x3FFC];
	_ =	sdelay $0x3  }
0x94: {  	_ =	strace s3  }
0x95: {  	s3 =	sld [smem:$0x3FFD];
	_ =	sdelay $0x3  }
0x96: {  	_ =	strace s3  }
0x97: {  	_ =	strace $0x8FFFFFFF  }
0x98: {  	s19 =	sld [smem:$0x3FDB];
	_ =	sdelay $0x1  }
0x99: {  	s4 =	simm.s32 $_scs_section_size  }
0x9a: {  	s5 =	simm.s32 $_size__tile_overlayer_lowered;
	s6 =	simm.s32 $_tile_overlayer_lowered  }
0x9b: {  	s22 =	simm.s32 $0x1BFF;
	s21 =	sshll.u32 s6, $0x1;
	s3 =	sadd.s32 s4, s19  }
0x9c: {  	s7 =	simm.s32 $0x0;
	s20 =	sshll.u32 s5, $0x1;
	s5 =	sadd.s32 s21, s3  }
0x9d: {  	[timem:s7], [sflag:s22] =	dma.local [hbm:s5], s20  }
0x9e: {  	_ =	swait.ge [sflag:s22], s20  }
0x9f: {  	s4 =	ssub.s32 $0x0, s20;
	[sflag:s22] =	ssyncset.done $0x0  }
0xa0: {  	[sflag:s22] =	ssyncadd.s32 s4;
	_ =	sdelay $0x1  }
0xa1: {  	s23 =	simm.s32 $0x1B8B  }
0xa2: {  	_ =	swait.ge [sflag:s23], $0x1  }
0xa3: {  	[sflag:s23] =	ssyncset.done $0x0  }
0xa4: {  	s25 =	simm.s32 $0x1B8E;
	s24 =	sld [smem:$0x3FFE];
	[sflag:s23] =	ssyncadd.s32 $0xFFFFFFFF  }
0xa5: {  	s26 =	simm.s32 $execute0_lowered;
	[smem:$0x3FD2] =	sst s25  }
0xa6: {  	s5 =	sshll.u32 s26, $0x1;
	_ =	strace $0x8000004C;
	[dreg:$0x1] =	wrdreg $0xFFFFFFFF  }
0xa7: {  	s28 =	simm.s32 $_size_execute0_lowered;
	s3 =	sadd.s32 s3, s5;
	[dreg:$0x0] =	wrdreg $0x0  }
0xa8: {  	s5 =	sshll.u32 s28, $0x1;
	[dreg:$0x2] =	wrdreg s3  }
0xa9: {  	[dreg:$0x3] =	wrdreg s5  }
0xaa: {  	[dreg:$0x4] =	wrdreg $0xC0  }
0xab: {  	_ =	task [dreg:s7], $0x5FFFF  }
0xac: {  	[dreg:$0x1] =	wrdreg $0xFFFFFFFF  }
0xad: {  	[dreg:$0x0] =	wrdreg $0x60  }
0xae: {  	[dreg:$0x2] =	wrdreg s24  }
0xaf: {  	[dreg:$0x3] =	wrdreg s2  }
0xb0: {  	[dreg:$0x4] =	wrdreg $0x41000  }
0xb1: {  	[dreg:$0x5] =	wrdreg $0x9  }
0xb2: {  	_ =	task.clear_ibuf [dreg:s7], $0x6FFFF;
	_ =	strace $0x9000004C  }
0xb3: {  	s29 =	simm.s32 $0x9;
	_ =	strace $0x8000004E  }
0xb4: {  	_ =	swait.ge [sflag:s29], $0x1  }
0xb5: {  	[sflag:s29] =	ssyncadd.s32 $0xFFFFFFFF  }
0xb6: {  	_ =	strace $0x9000004E  }
0xb7: {  	_ =	sfence  }
0xb8: {  	s30 =	sld [smem:$0x0];
	_ =	sdelay $0x2  }
0xb9: {  	s31 =	sshll.u32 s1, $0xD;
	s1 =	sshrl.u32 s1, $0x2  }
0xba: {  	s3 =	sand.u32 $0x4000, s31;
	s1 =	sadd.s32 s1, s30  }
0xbb: {  	s0 =	sor.u32 s3, s0;
	s1 =	sshll.u32 s1, $0x11  }
0xbc: {  	s0 =	sor.u32 s1, s0  }
0xbd: {  	s0 =	sadd.s32 $0x8F2B, s0  }
0xbe: {  	[sflag:s0] =	ssyncadd.remote.s32 $0x1  }
0xbf: {  	_ =	sfence.sel $0xFFFF  }
0xc0: {  	[dreg:$0x0] =	wrdreg $0xFFFFFFFF;
	(pc) =	sbr.abs _section_cstart, $3  }
0xc1: {  	[dreg:$0x1] =	wrdreg $0xFFFFFFFF  }
0xc2: {  	_ =	task.clear_ibuf [dreg:s7], $0x2FFFF;
	_ =	strace $0x9FFFFFFF  }
0xc3: {  	(tm) =	ssettm $0x7FFFFFFF  }
tec
execute0_lowered:
.L_overlay_start_1:
0x0: {  	(tag) =	ssettag $0x1  }
0x1: {  	s6 =	rddreg [dreg:$0x0]  }
0x2: {  	s2 =	rddreg [dreg:$0x1];
	s0 =	srdreg.scid  }
0x3: {  	s3 =	rddreg [dreg:$0x2];
	s1 =	stileid.u32;
	s4 =	simm.s32 $0x0  }
0x4: {  	s16 =	simm.s32 $0x2;
	s17 =	simm.s32 $0x80;
	s8 =	smul.u32 $0x14000, s1  }
0x5: {  	s18 =	simm.s32 $0x1;
	s21 =	simm.s32 $0x0;
	s9 =	smul.u32 $0x9E0, s1  }
0x6: {  	s7 =	sand.u32 $0x1, s0;
	s0 =	rddreg [dreg:$0x3];
	s10 =	smul.u32 $0x50000, s1  }
0x7: {  	[smem:$0x7FF] =	sst s4;
	s19 =	sshll.u32 s1, $0x6;
	s5 =	smul.u32 $0x140000, s7  }
0x8: {  	_ =	strace $0x8000004D;
	s29 =	ssub.s32 $0x2, s7;
	s13 =	smul.u32 $0x4F0, s7  }
0x9: {  	s19 =	sor.u32 $0x1C02, s19;
	s11 =	sadd.s32 s9, s6;
	s30 =	sshrl.u32 s10, $0x2  }
0xa: {  	s31 =	sshrl.u32 s29, $0x1;
	s8 =	sadd.s32 s8, s5;
	s5 =	sadd.s32 $0xC800, s6  }
0xb: {  	s14 =	ssub.s32 s29, s31;
	s15 =	sadd.s32 s13, s11;
	s8 =	sshrl.u32 s8, $0x3  }
0xc: {  	s13 =	sadd.s32 $0x2A00, s15;
	s12 =	sadd.s32 s8, s6;
	s6 =	sadd.s32 s30, s3  }
0xd: {  	s7 =	sadd.s32 $0x4000, s6;
	s8 =	sadd.s32 $0x8000, s6;
	s9 =	sadd.s32 $0xC000, s6  }
0xe: {  	s10 =	sadd.s32 $0x10000, s6;
	s11 =	sadd.s32 $0xD000, s12;
	s12 =	smax.u32 s14, $0x1  }
0xf: {  	s14 =	sadd.s32 $0x5D000, s15;
	s15 =	simm.s32 $0x100;
	s20 =	sshrl.u32 s6, $0x3  }
.LBB2_1:
0x10: {  	[tilespmem:s15], [sflag:$0x2] =	stream.linear.gather [hbm4b:s5+s4], $0x4000, $0x38;
	[tilespmem:$0x18100] =	vst v63  }
0x11: {  	_ =	swait.ge [sflag:s16], $0x4000  }
0x12: {  	[sflag:s16] =	ssyncset.done $0x0  }
0x13: {  	[sflag:s16] =	ssyncadd.s32 $0xFFFFC000  }
0x14: {  	[spmem:s6] =	stream.linear.scatter [tilespmem:s15], [sflag:$0x2], $0x4000, $0x38;
	[tilespmem:$0x18100] =	vst v63  }
0x15: {  	_ =	swait.ge [sflag:s16], $0x4000  }
0x16: {  	[sflag:s16] =	ssyncset.done $0x0  }
0x17: {  	[sflag:s16] =	ssyncadd.s32 $0xFFFFC000  }
0x18: {  	[spmem:s7] =	stream.linear.scatter [tilespmem:s15], [sflag:$0x2], $0x4000, $0x38;
	[tilespmem:$0x18100] =	vst v63  }
0x19: {  	_ =	swait.ge [sflag:s16], $0x4000  }
0x1a: {  	[sflag:s16] =	ssyncset.done $0x0  }
0x1b: {  	[sflag:s16] =	ssyncadd.s32 $0xFFFFC000  }
0x1c: {  	[spmem:s8] =	stream.linear.scatter [tilespmem:s15], [sflag:$0x2], $0x4000, $0x38;
	[tilespmem:$0x18100] =	vst v63  }
0x1d: {  	_ =	swait.ge [sflag:s16], $0x4000  }
0x1e: {  	[sflag:s16] =	ssyncset.done $0x0  }
0x1f: {  	[sflag:s16] =	ssyncadd.s32 $0xFFFFC000  }
0x20: {  	[spmem:s9] =	stream.linear.scatter [tilespmem:s15], [sflag:$0x2], $0x4000, $0x38;
	[tilespmem:$0x18100] =	vst v63  }
0x21: {  	_ =	swait.ge [sflag:s16], $0x4000  }
0x22: {  	[sflag:s16] =	ssyncset.done $0x0  }
0x23: {  	[sflag:s16] =	ssyncadd.s32 $0xFFFFC000  }
0x24: {  	[spmem:s10] =	stream.linear.scatter [tilespmem:s15], [sflag:$0x2], $0x4000, $0x38;
	[tilespmem:$0x18100] =	vst v63  }
0x25: {  	_ =	swait.ge [sflag:s16], $0x4000  }
0x26: {  	[sflag:s16] =	ssyncset.done $0x0  }
0x27: {  	[sflag:s16] =	ssyncadd.s32 $0xFFFFC000  }
0x28: {  	s22 =	sadd.s32 $0x0, s14;
	[bflag:$0x0] =	sbarrier.arrive $0xFFFF  }
0x29: {  	[tilespmem:s4], [sflag:$0x2] =	stream.linear.gather [hbm4b:s22+s4], $0x80, $0x38;
	[tilespmem:$0x18100] =	vst v63  }
0x2a: {  	_ =	swait.ge [sflag:s16], $0x80  }
0x2b: {  	[sflag:s16] =	ssyncset.done $0x0  }
0x2c: {  	s31 =	sadd.s32 $0x0, s13;
	[sflag:s16] =	ssyncadd.s32 $0xFFFFFF80  }
0x2d: {  	[tilespmem:s17], [sflag:$0x2] =	stream.linear.gather [hbm4b:s31+s4], $0x80, $0x38;
	[tilespmem:$0x18100] =	vst v63  }
0x2e: {  	_ =	swait.ge [sflag:s16], $0x80  }
0x2f: {  	[sflag:s16] =	ssyncset.done $0x0  }
0x30: {  	[sflag:s16] =	ssyncadd.s32 $0xFFFFFF80  }
0x31: {  	[tilespmem:s15], [sflag:$0x1] =	stream.indirect.gather [hbm4b:s2+s17], $0x80, s4, s17, $0xb8;
	[tilespmem:$0x18100] =	vst v63  }
0x32: {  	_ =	swait.ge [sflag:s18], $0x4000  }
0x33: {  	[sflag:s18] =	ssyncset.done $0x0  }
0x34: {  	[sflag:s18] =	ssyncadd.s32 $0xFFFFC000  }
0x35: {  	[spmem:s3] =	stream.indirect.scatter.add.f32 [tilespmem:s15], [sflag:$0x2], $0x80, s17, s17, $0xb8;
	[tilespmem:$0x18100] =	vst v63  }
0x36: {  	_ =	swait.ge [sflag:s16], $0x4000  }
0x37: {  	s23 =	simm.s32 $0x20;
	s22 =	simm.s32 $0x10;
	[sflag:s16] =	ssyncset.done $0x0  }
.LBB2_2:
0x38: {  	s24 =	sadd.s32 s22, s14  }
0x39: {  	[sflag:s16] =	ssyncadd.s32 $0xFFFFC000;
	s25 =	smov.u32 s23;
	s26 =	sadd.s32 $0x10, s23  }
0x3a: {  	[tilespmem:s4], [sflag:$0x2] =	stream.linear.gather [hbm4b:s24+s4], $0x80, $0x38;
	[tilespmem:$0x18100] =	vst v63  }
0x3b: {  	p0 =	sne.s32 s23, $0x4E0;
	_ =	swait.ge [sflag:s16], $0x80  }
0x3c: {  	[sflag:s16] =	ssyncset.done $0x0  }
0x3d: {  	s23 =	sadd.s32 s22, s13;
	s22 =	smov.u32 s25;
	[sflag:s16] =	ssyncadd.s32 $0xFFFFFF80  }
0x3e: {  	[tilespmem:s17], [sflag:$0x2] =	stream.linear.gather [hbm4b:s23+s4], $0x80, $0x38;
	[tilespmem:$0x18100] =	vst v63  }
0x3f: {  	_ =	swait.ge [sflag:s16], $0x80  }
0x40: {  	[sflag:s16] =	ssyncset.done $0x0  }
0x41: {  	[sflag:s16] =	ssyncadd.s32 $0xFFFFFF80  }
0x42: {  	[tilespmem:s15], [sflag:$0x1] =	stream.indirect.gather [hbm4b:s2+s17], $0x80, s4, s17, $0xb8;
	[tilespmem:$0x18100] =	vst v63  }
0x43: {  	_ =	swait.ge [sflag:s18], $0x4000  }
.Ltmp0:
0x44: {  	[sflag:s18] =	ssyncset.done $0x0;
	(pc) =	sbr.rel @p0 .LBB2_2-.Ltmp0, $4  }
0x45: {  	[sflag:s18] =	ssyncadd.s32 $0xFFFFC000  }
0x46: {  	[spmem:s3] =	stream.indirect.scatter.add.f32 [tilespmem:s15], [sflag:$0x2], $0x80, s17, s17, $0xb8;
	[tilespmem:$0x18100] =	vst v63  }
0x47: {  	_ =	swait.ge [sflag:s16], $0x4000  }
0x48: {  	s23 =	smov.u32 s26;
	[sflag:s16] =	ssyncset.done $0x0  }
0x49: {  	s23 =	sadd.s32 s22, s14;
	[sflag:s16] =	ssyncadd.s32 $0xFFFFC000  }
0x4a: {  	[tilespmem:s4], [sflag:$0x2] =	stream.linear.gather [hbm4b:s23+s4], $0x80, $0x38;
	[tilespmem:$0x18100] =	vst v63  }
0x4b: {  	_ =	swait.ge [sflag:s16], $0x80  }
0x4c: {  	[sflag:s16] =	ssyncset.done $0x0  }
0x4d: {  	s31 =	sadd.s32 s22, s13;
	[sflag:s16] =	ssyncadd.s32 $0xFFFFFF80  }
0x4e: {  	[tilespmem:s17], [sflag:$0x2] =	stream.linear.gather [hbm4b:s31+s4], $0x80, $0x38;
	[tilespmem:$0x18100] =	vst v63  }
0x4f: {  	_ =	swait.ge [sflag:s16], $0x80  }
0x50: {  	[sflag:s16] =	ssyncset.done $0x0  }
0x51: {  	[sflag:s16] =	ssyncadd.s32 $0xFFFFFF80  }
0x52: {  	[tilespmem:s15], [sflag:$0x1] =	stream.indirect.gather [hbm4b:s2+s17], $0x80, s4, s17, $0xb8;
	[tilespmem:$0x18100] =	vst v63  }
0x53: {  	_ =	swait.ge [sflag:s18], $0x4000  }
0x54: {  	[sflag:s18] =	ssyncset.done $0x0  }
0x55: {  	[sflag:s18] =	ssyncadd.s32 $0xFFFFC000  }
0x56: {  	[spmem:s3] =	stream.indirect.scatter.add.f32 [tilespmem:s15], [sflag:$0x2], $0x80, s17, s17, $0xb8;
	[tilespmem:$0x18100] =	vst v63  }
0x57: {  	_ =	swait.ge [sflag:s16], $0x4000  }
0x58: {  	s21 =	sadd.s32 $0x1, s21;
	[sflag:s16] =	ssyncset.done $0x0  }
0x59: {  	p0 =	sne.s32 s21, s12;
	[sflag:s16] =	ssyncadd.s32 $0xFFFFC000  }
.Ltmp1:
0x5a: {  	[bflag:$0x0] =	sbarrier.arrive $0xFFFF;
	(pc) =	sbr.rel @p0 .LBB2_1-.Ltmp1, $4  }
0x5b: {  	[hbm:s11], [sflag:s19] =	dma.local [spmem:s20], $0x2800  }
0x5c: {  	_ =	swait.ge [sflag:s16], $0x2800  }
0x5d: {  	[sflag:s16] =	ssyncset.done $0x0  }
0x5e: {  	[sflag:s16] =	ssyncadd.s32 $0xFFFFD800  }
0x5f: {  	_ =	sfence.sel $0x180000  }
0x60: {  	[bflag:$0x0] =	sbarrier.arrive $0xFFFF  }
0x61: {  	p0 =	sne.s32 s1, $0x0;
	_ =	strace $0x9000004D  }
0x62: {  	s0 =	sadd.s32 @!p0 $0x100000, s0;
	[bflag:$0x2] =	sbarrier.arrive $0xFFFF  }
0x63: {  	[sflag:s0] =	ssyncadd.tile.s32 @!p0 $0x1;
	_ =	shalt  }
.Lfunc_end2:
_tile_overlayer_lowered:
.L_overlay_start_2:
0x64: {  	(tag) =	ssettag $0x2  }
0x65: {  	s0 =	rddreg [dreg:$0x0];
	s2 =	stileid.u32  }
0x66: {  	s1 =	rddreg [dreg:$0x1];
	p0 =	sne.s32 s2, $0x0  }
0x67: {  	s3 =	rddreg [dreg:$0x2];
	[bflag:$0x3] =	sbarrier.arrive $0xFFFF;
	s2 =	simm.s32 @!p0 $0x1C02  }
0x68: {  	[timem:s3], [sflag:s2] =	dma.local @!p0 [hbm:s0], s1  }
0x69: {  	s0 =	simm.s32 @!p0 $0x2  }
0x6a: {  	_ =	swait.ge @!p0 [sflag:s0], s1  }
0x6b: {  	s1 =	ssub.s32 @!p0 $0x0, s1;
	[sflag:s0] =	ssyncset.done @!p0 $0x0  }
0x6c: {  	[sflag:s0] =	ssyncadd.s32 @!p0 s1  }
0x6d: {  	[bflag:$0x3] =	sbarrier.arrive $0xFFFF  }
0x6e: {  	_ =	shalt  }

// kernel: kernel.19.cloned.1.call-start
scs
__scs_entry_jumppad:
0x0: {  	(pc) =	sbr.rel $0x88, $3  }
0x1: {  	(tag) =	ssettag $0x0;
	lr =	simm.s32 $0x1  }
0x2: {  	[smem:$0x3F99] =	sst lr;
	_ =	strace $0xD0000000  }
0x3: {  	_ = 	snop  }
0x4: {  	_ = 	snop  }
0x5: {  	_ = 	snop  }
0x6: {  	_ = 	snop  }
0x7: {  	_ = 	snop  }
__scs_overlays_trampoline_lowered:
0x8: {  	[smem:$0x3FA8] =	sst s0  }
0x9: {  	[smem:$0x3FA9] =	sst s1  }
0xa: {  	[smem:$0x3FAA] =	sst s2  }
0xb: {  	[smem:$0x3FAB] =	sst s3  }
0xc: {  	[smem:$0x3FAC] =	sst s4  }
0xd: {  	[smem:$0x3FAD] =	sst s5  }
0xe: {  	[smem:$0x3FAE] =	sst s6  }
0xf: {  	[smem:$0x3FAF] =	sst s7  }
0x10: {  	[smem:$0x3FB0] =	sst s8  }
0x11: {  	[smem:$0x3FB1] =	sst s9;
	s0 =	simm.s32 @!p0 $0x0  }
0x12: {  	s1 =	sld [smem:$0x3F97];
	s0 =	simm.s32 @p0 $0x1  }
0x13: {  	[smem:$0x3FB2] =	sst s0;
	s0 =	simm.s32 @!p1 $0x0  }
0x14: {  	s2 =	sld [smem:$0x3F96];
	s0 =	simm.s32 @p1 $0x1  }
0x15: {  	[smem:$0x3FB3] =	sst s0;
	s0 =	simm.s32 @!p2 $0x0  }
0x16: {  	s3 =	sld [smem:$0x3FDB];
	s0 =	simm.s32 @p2 $0x1  }
0x17: {  	s4 =	simm.s32 $0x1BF5;
	[smem:$0x3FB5] =	sst s0  }
0x18: {  	s0 =	sld [smem:$0x3F98];
	_ =	swait.ge [sflag:s4], $0x0  }
0x19: {  	s7 =	sld [smem:$0x3F99]  }
0x1a: {  	s8 =	sadd.s32 $0xFFFFE003, lr  }
0x1b: {  	s9 =	sadd.s32 $0xFFFFFEF7, lr;
	s5 =	simm.s32 $0xFFFFFFFF;
	p2 =	slt.u32 s8, $0xFFFFF086  }
0x1c: {  	p1 =	slt.u32 s9, $0xF7A;
	s5 =	simm.s32 @!p2 $0x0  }
0x1d: {  	s5 =	simm.s32 @p1 $0x1;
	p0 =	seq.s32 s7, s2  }
0x1e: {  	s7 =	smul.u32 @!p0 $0xF7A, s2;
	p2 =	seq.s32 @!p0 s5, $0x0  }
0x1f: {  	s9 =	smul.u32 $0xF7A, s1;
	s8 =	simm.s32 @!p0 $0x1BF5;
	p2 =	por !p2, p0  }
0x20: {  	[sflag:s8] =	ssyncset.s32 @!p0 $0xFFFFF086;
	s6 =	sadd.s32 @!p0 s3, s7;
	s7 =	simm.s32 @!p0 $0x108  }
0x21: {  	s3 =	sadd.s32 s3, s9;
	s6 =	sadd.s32 @!p0 $0x88, s6;
	s7 =	simm.s32 @p2 $0x1082  }
0x22: {  	[simem:s7], [sflag:s8] =	dma.local @!p0 [hbm:s6], $0xF7A  }
0x23: {  	s9 =	sor.u32 $0xD0000000, s2;
	s6 =	simm.s32 $0x108;
	_ =	swait.ge @!p0 [sflag:s8], $0x0  }
0x24: {  	s3 =	sadd.s32 $0x88, s3;
	s6 =	simm.s32 @!p1 $0x1082;
	[sflag:s4] =	ssyncset.s32 $0xFFFFF086  }
0x25: {  	[simem:s6], [sflag:s4] =	dma.local [hbm:s3], $0xF7A  }
0x26: {  	[smem:$0x3F99] =	sst s1;
	(tag) =	ssettag s2;
	_ =	strace s9  }
0x27: {  	s1 =	sld [smem:$0x3FA9]  }
0x28: {  	s2 =	sld [smem:$0x3FAA]  }
0x29: {  	s4 =	sld [smem:$0x3FAC]  }
0x2a: {  	p0 =	seq.s32 s5, $0x0;
	s5 =	sld [smem:$0x3FAD]  }
0x2b: {  	s6 =	sld [smem:$0x3FAE]  }
0x2c: {  	s7 =	sld [smem:$0x3FAF]  }
0x2d: {  	s3 =	simm.s32 $0x108;
	s8 =	sld [smem:$0x3FB0]  }
0x2e: {  	s3 =	simm.s32 @!p0 $0x1082;
	s9 =	sld [smem:$0x3FB1]  }
0x2f: {  	lr =	sadd.s32 s0, s3;
	s0 =	sld [smem:$0x3FA8]  }
0x30: {  	s3 =	sld [smem:$0x3FAB]  }
0x31: {  	[smem:$0x3FB4] =	sst s10  }
0x32: {  	s10 =	sld [smem:$0x3FB2];
	_ =	sdelay $0x3  }
0x33: {  	p0 =	seq.s32 s10, $0x1;
	s10 =	sld [smem:$0x3FB4];
	_ =	sdelay $0x3  }
0x34: {  	[smem:$0x3FB4] =	sst s10  }
0x35: {  	s10 =	sld [smem:$0x3FB3];
	_ =	sdelay $0x3  }
0x36: {  	p1 =	seq.s32 s10, $0x1;
	s10 =	sld [smem:$0x3FB4];
	_ =	sdelay $0x3  }
0x37: {  	[smem:$0x3FB4] =	sst s10  }
0x38: {  	s10 =	sld [smem:$0x3FB5]  }
0x39: {  	_ = 	snop;
	(pc) =	sbr.ind lr, $3  }
0x3a: {  	_ = 	snop  }
0x3b: {  	_ = 	snop  }
0x3c: {  	p2 =	seq.s32 s10, $0x1;
	s10 =	sld [smem:$0x3FB4]  }
0x3d: {  	_ =	shalt  }
0x3e: {  	_ =	shalt  }
0x3f: {  	_ =	shalt  }
0x40: {  	_ =	shalt  }
0x41: {  	_ =	shalt  }
0x42: {  	_ =	shalt  }
0x43: {  	_ =	shalt  }
0x44: {  	_ =	shalt  }
0x45: {  	_ =	shalt  }
0x46: {  	_ =	shalt  }
0x47: {  	_ =	shalt  }
0x48: {  	_ =	shalt  }
0x49: {  	_ =	shalt  }
0x4a: {  	_ =	shalt  }
0x4b: {  	_ =	shalt  }
0x4c: {  	_ =	shalt  }
0x4d: {  	_ =	shalt  }
0x4e: {  	_ =	shalt  }
0x4f: {  	_ =	shalt  }
0x50: {  	_ =	shalt  }
0x51: {  	_ =	shalt  }
0x52: {  	_ =	shalt  }
0x53: {  	_ =	shalt  }
0x54: {  	_ =	shalt  }
0x55: {  	_ =	shalt  }
0x56: {  	_ =	shalt  }
0x57: {  	_ =	shalt  }
0x58: {  	_ =	shalt  }
0x59: {  	_ =	shalt  }
0x5a: {  	_ =	shalt  }
0x5b: {  	_ =	shalt  }
0x5c: {  	_ =	shalt  }
0x5d: {  	_ =	shalt  }
0x5e: {  	_ =	shalt  }
0x5f: {  	_ =	shalt  }
0x60: {  	_ =	shalt  }
0x61: {  	_ =	shalt  }
0x62: {  	_ =	shalt  }
0x63: {  	_ =	shalt  }
0x64: {  	_ =	shalt  }
0x65: {  	_ =	shalt  }
0x66: {  	_ =	shalt  }
0x67: {  	_ =	shalt  }
0x68: {  	_ =	shalt  }
0x69: {  	_ =	shalt  }
0x6a: {  	_ =	shalt  }
0x6b: {  	_ =	shalt  }
0x6c: {  	_ =	shalt  }
0x6d: {  	_ =	shalt  }
0x6e: {  	_ =	shalt  }
0x6f: {  	_ =	shalt  }
0x70: {  	_ =	shalt  }
0x71: {  	_ =	shalt  }
0x72: {  	_ =	shalt  }
0x73: {  	_ =	shalt  }
0x74: {  	_ =	shalt  }
0x75: {  	_ =	shalt  }
0x76: {  	_ =	shalt  }
0x77: {  	_ =	shalt  }
0x78: {  	_ =	shalt  }
0x79: {  	_ =	shalt  }
0x7a: {  	_ =	shalt  }
0x7b: {  	_ =	shalt  }
0x7c: {  	_ =	shalt  }
0x7d: {  	_ =	shalt  }
0x7e: {  	_ =	shalt  }
0x7f: {  	_ =	shalt  }
0x80: {  	_ =	shalt  }
0x81: {  	_ =	shalt  }
0x82: {  	_ =	shalt  }
0x83: {  	_ =	shalt  }
0x84: {  	_ =	shalt  }
0x85: {  	_ =	shalt  }
0x86: {  	_ =	shalt  }
0x87: {  	_ =	shalt  }
.Lfunc_end0:
.L_simem_size_0:
called_computation.3_lowered:
.L_overlay_start_0:
0x88: {  	s2 =	sld [smem:$0x3FD9]  }
0x89: {  	s3 =	sld [smem:$0x3FFE];
	_ =	sdelay $0x1  }
0x8a: {  	s1 =	srdreg.scid  }
0x8b: {  	s0 =	sand.u32 $0x1, s1  }
0x8c: {  	s17 =	sshll.u32 s0, $0xA;
	s2 =	sadd.s32 s3, s2  }
0x8d: {  	s2 =	sadd.s32 s2, s17  }
0x8e: {  	[smem:$0x3FC0] =	sst s2  }
0x8f: {  	_ = 	snop  }
0x90: {  	s2 =	sld [smem:$0x3FD0];
	(tm) =	ssettm $0x1  }
0x91: {  	s18 =	sld [smem:$0x3FFB];
	_ =	sdelay $0x3  }
0x92: {  	_ =	strace s18  }
0x93: {  	s3 =	sld [smem:$0x3FFC];
	_ =	sdelay $0x3  }
0x94: {  	_ =	strace s3  }
0x95: {  	s3 =	sld [smem:$0x3FFD];
	_ =	sdelay $0x3  }
0x96: {  	_ =	strace s3  }
0x97: {  	_ =	strace $0x8FFFFFFF  }
0x98: {  	s19 =	sld [smem:$0x3FDB];
	_ =	sdelay $0x1  }
0x99: {  	s4 =	simm.s32 $_scs_section_size  }
0x9a: {  	s5 =	simm.s32 $_size__tile_overlayer_lowered;
	s6 =	simm.s32 $_tile_overlayer_lowered  }
0x9b: {  	s22 =	simm.s32 $0x1BFF;
	s21 =	sshll.u32 s6, $0x1;
	s3 =	sadd.s32 s4, s19  }
0x9c: {  	s7 =	simm.s32 $0x0;
	s20 =	sshll.u32 s5, $0x1;
	s5 =	sadd.s32 s21, s3  }
0x9d: {  	[timem:s7], [sflag:s22] =	dma.local [hbm:s5], s20  }
0x9e: {  	_ =	swait.ge [sflag:s22], s20  }
0x9f: {  	s4 =	ssub.s32 $0x0, s20;
	[sflag:s22] =	ssyncset.done $0x0  }
0xa0: {  	[sflag:s22] =	ssyncadd.s32 s4;
	_ =	sdelay $0x1  }
0xa1: {  	s23 =	simm.s32 $0x1B8B  }
0xa2: {  	_ =	swait.ge [sflag:s23], $0x1  }
0xa3: {  	[sflag:s23] =	ssyncset.done $0x0  }
0xa4: {  	s25 =	simm.s32 $0x1B8E;
	s24 =	sld [smem:$0x3FFE];
	[sflag:s23] =	ssyncadd.s32 $0xFFFFFFFF  }
0xa5: {  	s26 =	simm.s32 $execute0_lowered;
	[smem:$0x3FD2] =	sst s25  }
0xa6: {  	s5 =	sshll.u32 s26, $0x1;
	_ =	strace $0x8000004F;
	[dreg:$0x1] =	wrdreg $0xFFFFFFFF  }
0xa7: {  	s28 =	simm.s32 $_size_execute0_lowered;
	s3 =	sadd.s32 s3, s5;
	[dreg:$0x0] =	wrdreg $0x0  }
0xa8: {  	s5 =	sshll.u32 s28, $0x1;
	[dreg:$0x2] =	wrdreg s3  }
0xa9: {  	[dreg:$0x3] =	wrdreg s5  }
0xaa: {  	[dreg:$0x4] =	wrdreg $0xC0  }
0xab: {  	_ =	task [dreg:s7], $0x5FFFF  }
0xac: {  	[dreg:$0x1] =	wrdreg $0xFFFFFFFF  }
0xad: {  	[dreg:$0x0] =	wrdreg $0x60  }
0xae: {  	[dreg:$0x2] =	wrdreg s24  }
0xaf: {  	[dreg:$0x3] =	wrdreg s2  }
0xb0: {  	[dreg:$0x4] =	wrdreg $0x41000  }
0xb1: {  	[dreg:$0x5] =	wrdreg $0x9  }
0xb2: {  	_ =	task.clear_ibuf [dreg:s7], $0x6FFFF;
	_ =	strace $0x9000004F  }
0xb3: {  	s29 =	simm.s32 $0x9;
	_ =	strace $0x80000051  }
0xb4: {  	_ =	swait.ge [sflag:s29], $0x1  }
0xb5: {  	[sflag:s29] =	ssyncadd.s32 $0xFFFFFFFF  }
0xb6: {  	_ =	strace $0x90000051  }
0xb7: {  	_ =	sfence  }
0xb8: {  	s30 =	sld [smem:$0x0];
	_ =	sdelay $0x2  }
0xb9: {  	s31 =	sshll.u32 s1, $0xD;
	s1 =	sshrl.u32 s1, $0x2  }
0xba: {  	s3 =	sand.u32 $0x4000, s31;
	s1 =	sadd.s32 s1, s30  }
0xbb: {  	s0 =	sor.u32 s3, s0;
	s1 =	sshll.u32 s1, $0x11  }
0xbc: {  	s0 =	sor.u32 s1, s0  }
0xbd: {  	s0 =	sadd.s32 $0x8F2B, s0  }
0xbe: {  	[sflag:s0] =	ssyncadd.remote.s32 $0x1  }
0xbf: {  	_ =	sfence.sel $0xFFFF  }
0xc0: {  	[dreg:$0x0] =	wrdreg $0xFFFFFFFF;
	(pc) =	sbr.abs _section_cstart, $3  }
0xc1: {  	[dreg:$0x1] =	wrdreg $0xFFFFFFFF  }
0xc2: {  	_ =	task.clear_ibuf [dreg:s7], $0x2FFFF;
	_ =	strace $0x9FFFFFFF  }
0xc3: {  	(tm) =	ssettm $0x7FFFFFFF  }
tec
execute0_lowered:
.L_overlay_start_1:
0x0: {  	(tag) =	ssettag $0x1  }
0x1: {  	s6 =	rddreg [dreg:$0x0]  }
0x2: {  	s2 =	rddreg [dreg:$0x1];
	s0 =	srdreg.scid  }
0x3: {  	s3 =	rddreg [dreg:$0x2];
	s1 =	stileid.u32;
	s4 =	simm.s32 $0x0  }
0x4: {  	s16 =	simm.s32 $0x2;
	s17 =	simm.s32 $0x80;
	s8 =	smul.u32 $0x14000, s1  }
0x5: {  	s18 =	simm.s32 $0x1;
	s21 =	simm.s32 $0x0;
	s9 =	smul.u32 $0x9E0, s1  }
0x6: {  	s7 =	sand.u32 $0x1, s0;
	s0 =	rddreg [dreg:$0x3];
	s10 =	smul.u32 $0x50000, s1  }
0x7: {  	[smem:$0x7FF] =	sst s4;
	s19 =	sshll.u32 s1, $0x6;
	s5 =	smul.u32 $0x140000, s7  }
0x8: {  	_ =	strace $0x80000050;
	s29 =	ssub.s32 $0x2, s7;
	s13 =	smul.u32 $0x4F0, s7  }
0x9: {  	s19 =	sor.u32 $0x1C02, s19;
	s11 =	sadd.s32 s9, s6;
	s30 =	sshrl.u32 s10, $0x2  }
0xa: {  	s31 =	sshrl.u32 s29, $0x1;
	s8 =	sadd.s32 s8, s5;
	s5 =	sadd.s32 $0xC800, s6  }
0xb: {  	s14 =	ssub.s32 s29, s31;
	s15 =	sadd.s32 s13, s11;
	s8 =	sshrl.u32 s8, $0x3  }
0xc: {  	s13 =	sadd.s32 $0x2A00, s15;
	s12 =	sadd.s32 s8, s6;
	s6 =	sadd.s32 s30, s3  }
0xd: {  	s7 =	sadd.s32 $0x4000, s6;
	s8 =	sadd.s32 $0x8000, s6;
	s9 =	sadd.s32 $0xC000, s6  }
0xe: {  	s10 =	sadd.s32 $0x10000, s6;
	s11 =	sadd.s32 $0xD000, s12;
	s12 =	smax.u32 s14, $0x1  }
0xf: {  	s14 =	sadd.s32 $0x5D000, s15;
	s15 =	simm.s32 $0x100;
	s20 =	sshrl.u32 s6, $0x3  }
.LBB2_1:
0x10: {  	[tilespmem:s15], [sflag:$0x2] =	stream.linear.gather [hbm4b:s5+s4], $0x4000, $0x38;
	[tilespmem:$0x18100] =	vst v63  }
0x11: {  	_ =	swait.ge [sflag:s16], $0x4000  }
0x12: {  	[sflag:s16] =	ssyncset.done $0x0  }
0x13: {  	[sflag:s16] =	ssyncadd.s32 $0xFFFFC000  }
0x14: {  	[spmem:s6] =	stream.linear.scatter [tilespmem:s15], [sflag:$0x2], $0x4000, $0x38;
	[tilespmem:$0x18100] =	vst v63  }
0x15: {  	_ =	swait.ge [sflag:s16], $0x4000  }
0x16: {  	[sflag:s16] =	ssyncset.done $0x0  }
0x17: {  	[sflag:s16] =	ssyncadd.s32 $0xFFFFC000  }
0x18: {  	[spmem:s7] =	stream.linear.scatter [tilespmem:s15], [sflag:$0x2], $0x4000, $0x38;
	[tilespmem:$0x18100] =	vst v63  }
0x19: {  	_ =	swait.ge [sflag:s16], $0x4000  }
0x1a: {  	[sflag:s16] =	ssyncset.done $0x0  }
0x1b: {  	[sflag:s16] =	ssyncadd.s32 $0xFFFFC000  }
0x1c: {  	[spmem:s8] =	stream.linear.scatter [tilespmem:s15], [sflag:$0x2], $0x4000, $0x38;
	[tilespmem:$0x18100] =	vst v63  }
0x1d: {  	_ =	swait.ge [sflag:s16], $0x4000  }
0x1e: {  	[sflag:s16] =	ssyncset.done $0x0  }
0x1f: {  	[sflag:s16] =	ssyncadd.s32 $0xFFFFC000  }
0x20: {  	[spmem:s9] =	stream.linear.scatter [tilespmem:s15], [sflag:$0x2], $0x4000, $0x38;
	[tilespmem:$0x18100] =	vst v63  }
0x21: {  	_ =	swait.ge [sflag:s16], $0x4000  }
0x22: {  	[sflag:s16] =	ssyncset.done $0x0  }
0x23: {  	[sflag:s16] =	ssyncadd.s32 $0xFFFFC000  }
0x24: {  	[spmem:s10] =	stream.linear.scatter [tilespmem:s15], [sflag:$0x2], $0x4000, $0x38;
	[tilespmem:$0x18100] =	vst v63  }
0x25: {  	_ =	swait.ge [sflag:s16], $0x4000  }
0x26: {  	[sflag:s16] =	ssyncset.done $0x0  }
0x27: {  	[sflag:s16] =	ssyncadd.s32 $0xFFFFC000  }
0x28: {  	s22 =	sadd.s32 $0x0, s14;
	[bflag:$0x0] =	sbarrier.arrive $0xFFFF  }
0x29: {  	[tilespmem:s4], [sflag:$0x2] =	stream.linear.gather [hbm4b:s22+s4], $0x80, $0x38;
	[tilespmem:$0x18100] =	vst v63  }
0x2a: {  	_ =	swait.ge [sflag:s16], $0x80  }
0x2b: {  	[sflag:s16] =	ssyncset.done $0x0  }
0x2c: {  	s31 =	sadd.s32 $0x0, s13;
	[sflag:s16] =	ssyncadd.s32 $0xFFFFFF80  }
0x2d: {  	[tilespmem:s17], [sflag:$0x2] =	stream.linear.gather [hbm4b:s31+s4], $0x80, $0x38;
	[tilespmem:$0x18100] =	vst v63  }
0x2e: {  	_ =	swait.ge [sflag:s16], $0x80  }
0x2f: {  	[sflag:s16] =	ssyncset.done $0x0  }
0x30: {  	[sflag:s16] =	ssyncadd.s32 $0xFFFFFF80  }
0x31: {  	[tilespmem:s15], [sflag:$0x1] =	stream.indirect.gather [hbm4b:s2+s17], $0x80, s4, s17, $0xb8;
	[tilespmem:$0x18100] =	vst v63  }
0x32: {  	_ =	swait.ge [sflag:s18], $0x4000  }
0x33: {  	[sflag:s18] =	ssyncset.done $0x0  }
0x34: {  	[sflag:s18] =	ssyncadd.s32 $0xFFFFC000  }
0x35: {  	[spmem:s3] =	stream.indirect.scatter.add.f32 [tilespmem:s15], [sflag:$0x2], $0x80, s17, s17, $0xb8;
	[tilespmem:$0x18100] =	vst v63  }
0x36: {  	_ =	swait.ge [sflag:s16], $0x4000  }
0x37: {  	s23 =	simm.s32 $0x20;
	s22 =	simm.s32 $0x10;
	[sflag:s16] =	ssyncset.done $0x0  }
.LBB2_2:
0x38: {  	s24 =	sadd.s32 s22, s14  }
0x39: {  	[sflag:s16] =	ssyncadd.s32 $0xFFFFC000;
	s25 =	smov.u32 s23;
	s26 =	sadd.s32 $0x10, s23  }
0x3a: {  	[tilespmem:s4], [sflag:$0x2] =	stream.linear.gather [hbm4b:s24+s4], $0x80, $0x38;
	[tilespmem:$0x18100] =	vst v63  }
0x3b: {  	p0 =	sne.s32 s23, $0x4E0;
	_ =	swait.ge [sflag:s16], $0x80  }
0x3c: {  	[sflag:s16] =	ssyncset.done $0x0  }
0x3d: {  	s23 =	sadd.s32 s22, s13;
	s22 =	smov.u32 s25;
	[sflag:s16] =	ssyncadd.s32 $0xFFFFFF80  }
0x3e: {  	[tilespmem:s17], [sflag:$0x2] =	stream.linear.gather [hbm4b:s23+s4], $0x80, $0x38;
	[tilespmem:$0x18100] =	vst v63  }
0x3f: {  	_ =	swait.ge [sflag:s16], $0x80  }
0x40: {  	[sflag:s16] =	ssyncset.done $0x0  }
0x41: {  	[sflag:s16] =	ssyncadd.s32 $0xFFFFFF80  }
0x42: {  	[tilespmem:s15], [sflag:$0x1] =	stream.indirect.gather [hbm4b:s2+s17], $0x80, s4, s17, $0xb8;
	[tilespmem:$0x18100] =	vst v63  }
0x43: {  	_ =	swait.ge [sflag:s18], $0x4000  }
.Ltmp0:
0x44: {  	[sflag:s18] =	ssyncset.done $0x0;
	(pc) =	sbr.rel @p0 .LBB2_2-.Ltmp0, $4  }
0x45: {  	[sflag:s18] =	ssyncadd.s32 $0xFFFFC000  }
0x46: {  	[spmem:s3] =	stream.indirect.scatter.add.f32 [tilespmem:s15], [sflag:$0x2], $0x80, s17, s17, $0xb8;
	[tilespmem:$0x18100] =	vst v63  }
0x47: {  	_ =	swait.ge [sflag:s16], $0x4000  }
0x48: {  	s23 =	smov.u32 s26;
	[sflag:s16] =	ssyncset.done $0x0  }
0x49: {  	s23 =	sadd.s32 s22, s14;
	[sflag:s16] =	ssyncadd.s32 $0xFFFFC000  }
0x4a: {  	[tilespmem:s4], [sflag:$0x2] =	stream.linear.gather [hbm4b:s23+s4], $0x80, $0x38;
	[tilespmem:$0x18100] =	vst v63  }
0x4b: {  	_ =	swait.ge [sflag:s16], $0x80  }
0x4c: {  	[sflag:s16] =	ssyncset.done $0x0  }
0x4d: {  	s31 =	sadd.s32 s22, s13;
	[sflag:s16] =	ssyncadd.s32 $0xFFFFFF80  }
0x4e: {  	[tilespmem:s17], [sflag:$0x2] =	stream.linear.gather [hbm4b:s31+s4], $0x80, $0x38;
	[tilespmem:$0x18100] =	vst v63  }
0x4f: {  	_ =	swait.ge [sflag:s16], $0x80  }
0x50: {  	[sflag:s16] =	ssyncset.done $0x0  }
0x51: {  	[sflag:s16] =	ssyncadd.s32 $0xFFFFFF80  }
0x52: {  	[tilespmem:s15], [sflag:$0x1] =	stream.indirect.gather [hbm4b:s2+s17], $0x80, s4, s17, $0xb8;
	[tilespmem:$0x18100] =	vst v63  }
0x53: {  	_ =	swait.ge [sflag:s18], $0x4000  }
0x54: {  	[sflag:s18] =	ssyncset.done $0x0  }
0x55: {  	[sflag:s18] =	ssyncadd.s32 $0xFFFFC000  }
0x56: {  	[spmem:s3] =	stream.indirect.scatter.add.f32 [tilespmem:s15], [sflag:$0x2], $0x80, s17, s17, $0xb8;
	[tilespmem:$0x18100] =	vst v63  }
0x57: {  	_ =	swait.ge [sflag:s16], $0x4000  }
0x58: {  	s21 =	sadd.s32 $0x1, s21;
	[sflag:s16] =	ssyncset.done $0x0  }
0x59: {  	p0 =	sne.s32 s21, s12;
	[sflag:s16] =	ssyncadd.s32 $0xFFFFC000  }
.Ltmp1:
0x5a: {  	[bflag:$0x0] =	sbarrier.arrive $0xFFFF;
	(pc) =	sbr.rel @p0 .LBB2_1-.Ltmp1, $4  }
0x5b: {  	[hbm:s11], [sflag:s19] =	dma.local [spmem:s20], $0x2800  }
0x5c: {  	_ =	swait.ge [sflag:s16], $0x2800  }
0x5d: {  	[sflag:s16] =	ssyncset.done $0x0  }
0x5e: {  	[sflag:s16] =	ssyncadd.s32 $0xFFFFD800  }
0x5f: {  	_ =	sfence.sel $0x180000  }
0x60: {  	[bflag:$0x0] =	sbarrier.arrive $0xFFFF  }
0x61: {  	p0 =	sne.s32 s1, $0x0;
	_ =	strace $0x90000050  }
0x62: {  	s0 =	sadd.s32 @!p0 $0x100000, s0;
	[bflag:$0x2] =	sbarrier.arrive $0xFFFF  }
0x63: {  	[sflag:s0] =	ssyncadd.tile.s32 @!p0 $0x1;
	_ =	shalt  }
.Lfunc_end2:
_tile_overlayer_lowered:
.L_overlay_start_2:
0x64: {  	(tag) =	ssettag $0x2  }
0x65: {  	s0 =	rddreg [dreg:$0x0];
	s2 =	stileid.u32  }
0x66: {  	s1 =	rddreg [dreg:$0x1];
	p0 =	sne.s32 s2, $0x0  }
0x67: {  	s3 =	rddreg [dreg:$0x2];
	[bflag:$0x3] =	sbarrier.arrive $0xFFFF;
	s2 =	simm.s32 @!p0 $0x1C02  }
0x68: {  	[timem:s3], [sflag:s2] =	dma.local @!p0 [hbm:s0], s1  }
0x69: {  	s0 =	simm.s32 @!p0 $0x2  }
0x6a: {  	_ =	swait.ge @!p0 [sflag:s0], s1  }
0x6b: {  	s1 =	ssub.s32 @!p0 $0x0, s1;
	[sflag:s0] =	ssyncset.done @!p0 $0x0  }
0x6c: {  	[sflag:s0] =	ssyncadd.s32 @!p0 s1  }
0x6d: {  	[bflag:$0x3] =	sbarrier.arrive $0xFFFF  }
0x6e: {  	_ =	shalt  }

</sc_bundles>
